<compile_context>
chip_gen: v7x
topology: tpu7x:2x2x1
jax: 0.10.2.dev20260603
libtpu: 0.0.44.dev20260713+nightly
codegen_flags: <defaults>
</compile_context>

<pallas_src>
import functools
import math

import jax
import jax.numpy as jnp
import numpy as np
from jax import lax
from jax.experimental import pallas as pl
from jax.experimental.pallas import tpu as pltpu
from jax.experimental.pallas import tpu_sc as plsc


def _pe_flat(S, D):
    pe = np.zeros((S, D), dtype=np.float32)
    position = np.arange(0, S, dtype=np.float32)[:, None]
    div_term = np.exp(
        np.arange(0, D, 2, dtype=np.float32) * -(math.log(10000.0) / D))
    pe[:, 0::2] = np.sin(position * div_term)
    pe[:, 1::2] = np.cos(position * div_term)
    return pe.reshape(-1)


_TILED = pltpu.CompilerParams(
    use_tc_tiling_on_sc=True, needs_layout_passes=False)
_L = 16


def _worker_id():
    info = plsc.get_sparse_core_info()
    return lax.axis_index("s") * info.num_cores + lax.axis_index("c")


def _mesh():
    return plsc.VectorSubcoreMesh(core_axis_name="c", subcore_axis_name="s")


@functools.lru_cache(maxsize=None)
def _make_k1(V, D):
    NW = 32
    NB = (V + 127) // 128
    HALF = PER = (NB + 2 * NW - 1) // (2 * NW)
    R2R = NB * (128 // 2)
    SCALE = float(np.sqrt(D))

    mesh = _mesh()

    @functools.partial(
        pl.kernel, mesh=mesh, compiler_params=_TILED,
        out_type=jax.ShapeDtypeStruct((R2R, 2 * D), jnp.float32),
        scratch_types=[
            pltpu.VMEM((D, 128), jnp.float32),
            pltpu.VMEM((D, 128), jnp.float32),
            pltpu.VMEM((D, 128), jnp.float32),
            pltpu.VMEM((D, 128), jnp.float32),
            pltpu.SemaphoreType.DMA,
            pltpu.SemaphoreType.DMA,
            pltpu.SemaphoreType.DMA,
            pltpu.SemaphoreType.DMA,
        ],
    )
    def k1(tin, r2, in0, in1, o0, o1, g0, g1, w0, w1):
        wid = _worker_id()
        ins, outs = (in0, in1), (o0, o1)
        gsems, osems = (g0, g1), (w0, w1)
        rowv = [lax.iota(jnp.int32, _L) + 16 * m for m in range(4)]

        for p in range(2):
            pltpu.async_copy(
                tin.at[:, pl.ds((wid + NW * p) * 128, 128)], ins[p], gsems[p])

        def halfstep(i, p):
            k2i = 2 * i + p
            blk = wid + NW * k2i

            @pl.when(blk < NB)
            def _():
                inb, outb = ins[p], outs[p]
                pltpu.make_async_copy(
                    tin.at[:, pl.ds(0, 128)], inb, gsems[p]).wait()

                @pl.when(k2i >= 2)
                def _():
                    pltpu.make_async_copy(
                        outb, r2.at[pl.ds(0, D)], osems[p]).wait()

                def rows(r, carry):
                    for half in range(2):
                        csp = jnp.full((_L,), 2 * r + half, jnp.int32)
                        for m in range(4):
                            g = plsc.load_gather(inb, [rowv[m], csp])
                            outb[r, pl.ds((half * 4 + m) * _L, _L)] = g * SCALE
                    return carry

                lax.fori_loop(0, D, rows, 0, unroll=False)
                pltpu.async_copy(outb, r2.at[pl.ds(blk * D, D)], osems[p])

                @pl.when(blk + 2 * NW < NB)
                def _():
                    pltpu.async_copy(
                        tin.at[:, pl.ds((blk + 2 * NW) * 128, 128)],
                        inb, gsems[p])

        def step(i, carry):
            halfstep(i, 0)
            halfstep(i, 1)
            return carry

        lax.fori_loop(0, HALF, step, 0, unroll=False)
        pltpu.make_async_copy(o0, r2.at[pl.ds(0, D)], w0).wait()
        pltpu.make_async_copy(o1, r2.at[pl.ds(0, D)], w1).wait()

    return k1


@functools.lru_cache(maxsize=None)
def _make_k2(S, B, D, R2R):
    NW = 32
    CB = B // NW
    mesh = _mesh()

    @functools.partial(
        pl.kernel, mesh=mesh, compiler_params=_TILED,
        out_type=jax.ShapeDtypeStruct((S, D, B), jnp.float32),
        scratch_types=[
            pltpu.VMEM((S, CB), jnp.int32),
            pltpu.VMEM((S * D,), jnp.float32),
            pltpu.VMEM((2, CB), jnp.int32),
            pltpu.VMEM((2, CB), jnp.int32),
            pltpu.VMEM((CB, 2 * D), jnp.float32),
            pltpu.VMEM((CB, 2 * D), jnp.float32),
            pltpu.VMEM((D, CB), jnp.float32),
            pltpu.VMEM((D, CB), jnp.float32),
            pltpu.SemaphoreType.DMA,
            pltpu.SemaphoreType.DMA,
            pltpu.SemaphoreType.DMA,
            pltpu.SemaphoreType.DMA,
        ],
    )
    def k2(src, r2, pe, out, idxv, pev, i2b, hob, pb0, pb1, tb0, tb1,
           g0, g1, w0, w1):
        wid = _worker_id()
        col0 = wid * CB
        pairs, tbufs = (pb0, pb1), (tb0, tb1)
        gsems, osems = (g0, g1), (w0, w1)
        NQ = CB // _L
        rowv = [lax.iota(jnp.int32, _L) + 16 * q for q in range(NQ)]

        pltpu.sync_copy(src.at[:, pl.ds(col0, CB)], idxv)
        pltpu.sync_copy(pe, pev)

        def prep_and_fire(s, p):
            for q in range(NQ):
                v = idxv[s, pl.ds(16 * q, _L)]
                i2b[p, pl.ds(16 * q, _L)] = lax.shift_right_logical(v, 1)
                hob[p, pl.ds(16 * q, _L)] = (v & 1) * D
            pltpu.async_copy(r2.at[i2b.at[p]], pairs[p], gsems[p])

        prep_and_fire(0, 0)
        prep_and_fire(1, 1)

        def halfstep(i, p):
            s = 2 * i + p
            pb, tb = pairs[p], tbufs[p]
            pltpu.make_async_copy(
                r2.at[pl.ds(0, CB)], pb, gsems[p]).wait()

            @pl.when(s >= 2)
            def _():
                pltpu.make_async_copy(
                    tb, out.at[0, :, pl.ds(col0, CB)], osems[p]).wait()

            hvec = [hob[p, pl.ds(16 * q, _L)] for q in range(NQ)]

            def jloop(j, carry):
                pej = plsc.load_gather(
                    pev, [jnp.full((_L,), s * D + j, jnp.int32)])
                jsp = jnp.full((_L,), j, jnp.int32)
                for q in range(NQ):
                    val = plsc.load_gather(pb, [rowv[q], hvec[q] + jsp])
                    tb[j, pl.ds(16 * q, _L)] = val + pej
                return carry

            lax.fori_loop(0, D, jloop, 0, unroll=False)
            pltpu.async_copy(tb, out.at[s, :, pl.ds(col0, CB)], osems[p])

            @pl.when(s + 2 < S)
            def _():
                prep_and_fire(s + 2, p)

        def step(i, carry):
            halfstep(i, 0)
            halfstep(i, 1)
            return carry

        lax.fori_loop(0, S // 2, step, 0, unroll=False)
        pltpu.make_async_copy(tb0, out.at[0, :, pl.ds(col0, CB)], w0).wait()
        pltpu.make_async_copy(tb1, out.at[0, :, pl.ds(col0, CB)], w1).wait()

    return k2


def kernel(src, table, step):
    del step
    S, B = src.shape
    V, D = table.shape
    pe = jnp.asarray(_pe_flat(S, D))
    table_t = jnp.swapaxes(table, 0, 1)
    r2 = _make_k1(V, D)(table_t)
    p_out = _make_k2(S, B, D, r2.shape[0])(src.astype(jnp.int32), r2, pe)
    return jnp.swapaxes(p_out, 1, 2)

# --- scband reference (transcript-rebuilt; emitter-appended) ---
"""Pipeline reference for scband-word-sinusoidalpos-embedding-5746666242502 (READ-ONLY COPY).

The authoritative reference and input builder live on the scoring server;
editing this copy changes nothing except your own understanding.
"""

import jax, jax.numpy as jnp
import numpy as np
import math

VOCAB = 1000000
EMB = 64
MAX_LEN = 512
SEQ = 200
BATCH = 4096

def _make_pe():
    pe = np.zeros((MAX_LEN, EMB), dtype=np.float32)
    position = np.arange(0, MAX_LEN, dtype=np.float32)[:, None]
    div_term = np.exp(np.arange(0, EMB, 2, dtype=np.float32) * -(math.log(10000.0) / EMB))
    pe[:, 0::2] = np.sin(position * div_term)
    pe[:, 1::2] = np.cos(position * div_term)
    return jnp.asarray(pe)[:, None, :]  # (MAX_LEN, 1, EMB)

def setup_inputs(seed: int = 0) -> dict:
    key = jax.random.key(seed)
    k1, k2 = jax.random.split(key)
    src = jax.random.randint(k1, (SEQ, BATCH), 0, VOCAB, dtype=jnp.int64 if jax.config.jax_enable_x64 else jnp.int32)
    table = jax.random.normal(k2, (VOCAB, EMB), dtype=jnp.float32)
    return {"src": src, "table": table, "step": 0}

def reference(src, table, step=0):
    pe = _make_pe()
    word_emb = jnp.take(table, src, axis=0)            # (SEQ, BATCH, EMB) gather
    emb = word_emb * math.sqrt(word_emb.shape[-1])      # scale by sqrt(dim)
    emb = emb + pe[:emb.shape[0]]                       # broadcast positional encoding
    # dropout is identity at inference
    return emb

if __name__ == "__main__":
    import jax
    _d = setup_inputs()
    print(jax.jit(kernel)(*tuple(_d.values())))

</pallas_src>

<mosaic_0001>
#map = affine_map<(d0, d1) -> (0, 0)>
module attributes {stable_mosaic.version = 14 : i64} {
  func.func @k1(%arg0: i32, %arg1: i32, %arg2: memref<64x1000000xf32, #tpu.memory_space<hbm>>, %arg3: memref<500032x128xf32, #tpu.memory_space<hbm>>, %arg4: memref<64x128xf32, #tpu.memory_space<vmem>>, %arg5: memref<64x128xf32, #tpu.memory_space<vmem>>, %arg6: memref<64x128xf32, #tpu.memory_space<vmem>>, %arg7: memref<64x128xf32, #tpu.memory_space<vmem>>, %arg8: memref<!tpu.dma_semaphore, #tpu.memory_space<semaphore_mem>>, %arg9: memref<!tpu.dma_semaphore, #tpu.memory_space<semaphore_mem>>, %arg10: memref<!tpu.dma_semaphore, #tpu.memory_space<semaphore_mem>>, %arg11: memref<!tpu.dma_semaphore, #tpu.memory_space<semaphore_mem>>) attributes {dimension_semantics = [#tpu.dimension_semantics<core_parallel>, #tpu.dimension_semantics<subcore_parallel>], iteration_bounds = array<i64: 2, 16>, scalar_prefetch = 0 : i64, scratch_operands = 8 : i64, tpu.core_type = #tpu.core_type<sc_vector_subcore>, window_params = [{transform_indices = #map}, {transform_indices = #map}]} {
    %mul3A = arith.constant 2 : i32
    %mul3A_0 = arith.muli %arg1, %mul3A : i32
    %add3A = arith.addi %mul3A_0, %arg0 : i32
    %iota3A = tpu.iota {dimensions = array<i32: 0>} : vector<16xi32>
    %add3A_1 = arith.constant 0 : i32
    %add3A_2 = vector.broadcast %add3A_1 : i32 to vector<16xi32>
    %add3A_3 = arith.addi %iota3A, %add3A_2 : vector<16xi32>
    %iota3A_4 = tpu.iota {dimensions = array<i32: 0>} : vector<16xi32>
    %add3A_5 = arith.constant 16 : i32
    %add3A_6 = vector.broadcast %add3A_5 : i32 to vector<16xi32>
    %add3A_7 = arith.addi %iota3A_4, %add3A_6 : vector<16xi32>
    %iota3A_8 = tpu.iota {dimensions = array<i32: 0>} : vector<16xi32>
    %add3A_9 = arith.constant 32 : i32
    %add3A_10 = vector.broadcast %add3A_9 : i32 to vector<16xi32>
    %add3A_11 = arith.addi %iota3A_8, %add3A_10 : vector<16xi32>
    %iota3A_12 = tpu.iota {dimensions = array<i32: 0>} : vector<16xi32>
    %add3A_13 = arith.constant 48 : i32
    %add3A_14 = vector.broadcast %add3A_13 : i32 to vector<16xi32>
    %add3A_15 = arith.addi %iota3A_12, %add3A_14 : vector<16xi32>
    %add3A_16 = arith.constant 0 : i32
    %add3A_17 = arith.addi %add3A, %add3A_16 : i32
    %mul3A_18 = arith.constant 128 : i32
    %mul3A_19 = arith.muli %add3A_17, %mul3A_18 : i32
    %dma_start3A = arith.constant 0 : i32
    %dma_start3A_20 = tpu.memref_slice %arg2[%dma_start3A, %mul3A_19] : memref<64x1000000xf32, #tpu.memory_space<hbm>> -> memref<64x128xf32, #tpu.memory_space<hbm>>
    %dma_start3A_21 = arith.constant 0 : i32
    %dma_start3A_22 = tpu.memref_slice %arg2[%dma_start3A_21, %mul3A_19] : memref<64x1000000xf32, #tpu.memory_space<hbm>> -> memref<64x128xf32, #tpu.memory_space<hbm>>
    tpu.enqueue_dma source(%dma_start3A_22 : memref<64x128xf32, #tpu.memory_space<hbm>>) target(%arg4 : memref<64x128xf32, #tpu.memory_space<vmem>>) target_semaphore(%arg8 : memref<!tpu.dma_semaphore, #tpu.memory_space<semaphore_mem>>)
    %add3A_23 = arith.constant 32 : i32
    %add3A_24 = arith.addi %add3A, %add3A_23 : i32
    %mul3A_25 = arith.constant 128 : i32
    %mul3A_26 = arith.muli %add3A_24, %mul3A_25 : i32
    %dma_start3A_27 = arith.constant 0 : i32
    %dma_start3A_28 = tpu.memref_slice %arg2[%dma_start3A_27, %mul3A_26] : memref<64x1000000xf32, #tpu.memory_space<hbm>> -> memref<64x128xf32, #tpu.memory_space<hbm>>
    %dma_start3A_29 = arith.constant 0 : i32
    %dma_start3A_30 = tpu.memref_slice %arg2[%dma_start3A_29, %mul3A_26] : memref<64x1000000xf32, #tpu.memory_space<hbm>> -> memref<64x128xf32, #tpu.memory_space<hbm>>
    tpu.enqueue_dma source(%dma_start3A_30 : memref<64x128xf32, #tpu.memory_space<hbm>>) target(%arg5 : memref<64x128xf32, #tpu.memory_space<vmem>>) target_semaphore(%arg9 : memref<!tpu.dma_semaphore, #tpu.memory_space<semaphore_mem>>)
    %scan3A = arith.constant 0 : i32
    %scan3A_31 = arith.constant 0 : i32
    %scan3A_32 = arith.constant 123 : i32
    %scan3A_33 = arith.addi %scan3A_31, %scan3A_32 : i32
    %scan3A_34 = arith.constant 1 : i32
    scf.for %scan3A_47 = %scan3A_31 to %scan3A_33 step %scan3A_34  : i32 {
      %mul3A_48 = arith.constant 2 : i32
      %mul3A_49 = arith.muli %mul3A_48, %scan3A_47 : i32
      %add3A_50 = arith.constant 0 : i32
      %add3A_51 = arith.addi %mul3A_49, %add3A_50 : i32
      %mul3A_52 = arith.constant 32 : i32
      %mul3A_53 = arith.muli %mul3A_52, %add3A_51 : i32
      %add3A_54 = arith.addi %add3A, %mul3A_53 : i32
      %lt3A = arith.constant 7813 : i32
      %lt3A_55 = arith.cmpi slt, %add3A_54, %lt3A : i32
      %convert_element_type3A = arith.extui %lt3A_55 : i1 to i32
      %cond3A = arith.constant 0 : i32
      %cond3A_56 = arith.cmpi ne, %convert_element_type3A, %cond3A : i32
      scf.if %cond3A_56 {
        %dma_wait3A_69 = arith.constant 0 : i32
        %dma_wait3A_70 = arith.constant 0 : i32
        %dma_wait3A_71 = tpu.memref_slice %arg2[%dma_wait3A_69, %dma_wait3A_70] : memref<64x1000000xf32, #tpu.memory_space<hbm>> -> memref<64x128xf32, #tpu.memory_space<hbm>>
        %dma_wait3A_72 = arith.constant 0 : i32
        %dma_wait3A_73 = arith.constant 0 : i32
        %dma_wait3A_74 = tpu.memref_slice %arg2[%dma_wait3A_72, %dma_wait3A_73] : memref<64x1000000xf32, #tpu.memory_space<hbm>> -> memref<64x128xf32, #tpu.memory_space<hbm>>
        tpu.wait_dma2 semaphore(%arg8 : memref<!tpu.dma_semaphore, #tpu.memory_space<semaphore_mem>>) src(%dma_wait3A_74 : memref<64x128xf32, #tpu.memory_space<hbm>>) dst(%arg4 : memref<64x128xf32, #tpu.memory_space<vmem>>)
        %ge3A = arith.constant 2 : i32
        %ge3A_75 = arith.cmpi sge, %add3A_51, %ge3A : i32
        %convert_element_type3A_76 = arith.extui %ge3A_75 : i1 to i32
        %cond3A_77 = arith.constant 0 : i32
        %cond3A_78 = arith.cmpi ne, %convert_element_type3A_76, %cond3A_77 : i32
        scf.if %cond3A_78 {
          %dma_wait3A_98 = arith.constant 0 : i32
          %dma_wait3A_99 = arith.constant 0 : i32
          %dma_wait3A_100 = tpu.memref_slice %arg3[%dma_wait3A_98, %dma_wait3A_99] : memref<500032x128xf32, #tpu.memory_space<hbm>> -> memref<64x128xf32, #tpu.memory_space<hbm>>
          %dma_wait3A_101 = arith.constant 0 : i32
          %dma_wait3A_102 = arith.constant 0 : i32
          %dma_wait3A_103 = tpu.memref_slice %arg3[%dma_wait3A_101, %dma_wait3A_102] : memref<500032x128xf32, #tpu.memory_space<hbm>> -> memref<64x128xf32, #tpu.memory_space<hbm>>
          tpu.wait_dma2 semaphore(%arg10 : memref<!tpu.dma_semaphore, #tpu.memory_space<semaphore_mem>>) src(%arg6 : memref<64x128xf32, #tpu.memory_space<vmem>>) dst(%dma_wait3A_103 : memref<64x128xf32, #tpu.memory_space<hbm>>)
        } else {
        }
        %scan3A_79 = arith.constant 0 : i32
        %scan3A_80 = arith.constant 0 : i32
        %scan3A_81 = arith.constant 64 : i32
        %scan3A_82 = arith.addi %scan3A_80, %scan3A_81 : i32
        %scan3A_83 = arith.constant 1 : i32
        scf.for %scan3A_98 = %scan3A_80 to %scan3A_82 step %scan3A_83  : i32 {
          %mul3A_99 = arith.constant 2 : i32
          %mul3A_100 = arith.muli %mul3A_99, %scan3A_98 : i32
          %add3A_101 = arith.constant 0 : i32
          %add3A_102 = arith.addi %mul3A_100, %add3A_101 : i32
          %broadcast_in_dim3A = vector.broadcast %add3A_102 : i32 to vector<16xi32>
          %gather3A = tpu.vector_load_idx %arg4[%add3A_3, %broadcast_in_dim3A] : memref<64x128xf32, #tpu.memory_space<vmem>>[vector<16xi32>, vector<16xi32>], vector<16xf32>,
          %mul3A_103 = arith.constant 8.000000e+00 : f32
          %mul3A_104 = vector.broadcast %mul3A_103 : f32 to vector<16xf32>
          %mul3A_105 = arith.mulf %gather3A, %mul3A_104 : vector<16xf32>
          %swap3A = arith.index_cast %scan3A_98 : i32 to index
          %swap3A_106 = arith.constant 0 : index
          %swap3A_107 = tpu.vector_load %arg6[%swap3A, %swap3A_106] {strides = array<i32>} : memref<64x128xf32, #tpu.memory_space<vmem>>, vector<16xf32>,
          tpu.vector_store %arg6[%swap3A, %swap3A_106], %mul3A_105 {strides = array<i32>} : memref<64x128xf32, #tpu.memory_space<vmem>>, vector<16xf32>,
          %gather3A_108 = tpu.vector_load_idx %arg4[%add3A_7, %broadcast_in_dim3A] : memref<64x128xf32, #tpu.memory_space<vmem>>[vector<16xi32>, vector<16xi32>], vector<16xf32>,
          %mul3A_109 = arith.constant 8.000000e+00 : f32
          %mul3A_110 = vector.broadcast %mul3A_109 : f32 to vector<16xf32>
          %mul3A_111 = arith.mulf %gather3A_108, %mul3A_110 : vector<16xf32>
          %swap3A_112 = arith.index_cast %scan3A_98 : i32 to index
          %swap3A_113 = arith.constant 16 : index
          %swap3A_114 = tpu.vector_load %arg6[%swap3A_112, %swap3A_113] {strides = array<i32>} : memref<64x128xf32, #tpu.memory_space<vmem>>, vector<16xf32>,
          tpu.vector_store %arg6[%swap3A_112, %swap3A_113], %mul3A_111 {strides = array<i32>} : memref<64x128xf32, #tpu.memory_space<vmem>>, vector<16xf32>,
          %gather3A_115 = tpu.vector_load_idx %arg4[%add3A_11, %broadcast_in_dim3A] : memref<64x128xf32, #tpu.memory_space<vmem>>[vector<16xi32>, vector<16xi32>], vector<16xf32>,
          %mul3A_116 = arith.constant 8.000000e+00 : f32
          %mul3A_117 = vector.broadcast %mul3A_116 : f32 to vector<16xf32>
          %mul3A_118 = arith.mulf %gather3A_115, %mul3A_117 : vector<16xf32>
          %swap3A_119 = arith.index_cast %scan3A_98 : i32 to index
          %swap3A_120 = arith.constant 32 : index
          %swap3A_121 = tpu.vector_load %arg6[%swap3A_119, %swap3A_120] {strides = array<i32>} : memref<64x128xf32, #tpu.memory_space<vmem>>, vector<16xf32>,
          tpu.vector_store %arg6[%swap3A_119, %swap3A_120], %mul3A_118 {strides = array<i32>} : memref<64x128xf32, #tpu.memory_space<vmem>>, vector<16xf32>,
          %gather3A_122 = tpu.vector_load_idx %arg4[%add3A_15, %broadcast_in_dim3A] : memref<64x128xf32, #tpu.memory_space<vmem>>[vector<16xi32>, vector<16xi32>], vector<16xf32>,
          %mul3A_123 = arith.constant 8.000000e+00 : f32
          %mul3A_124 = vector.broadcast %mul3A_123 : f32 to vector<16xf32>
          %mul3A_125 = arith.mulf %gather3A_122, %mul3A_124 : vector<16xf32>
          %swap3A_126 = arith.index_cast %scan3A_98 : i32 to index
          %swap3A_127 = arith.constant 48 : index
          %swap3A_128 = tpu.vector_load %arg6[%swap3A_126, %swap3A_127] {strides = array<i32>} : memref<64x128xf32, #tpu.memory_space<vmem>>, vector<16xf32>,
          tpu.vector_store %arg6[%swap3A_126, %swap3A_127], %mul3A_125 {strides = array<i32>} : memref<64x128xf32, #tpu.memory_space<vmem>>, vector<16xf32>,
          %mul3A_129 = arith.constant 2 : i32
          %mul3A_130 = arith.muli %mul3A_129, %scan3A_98 : i32
          %add3A_131 = arith.constant 1 : i32
          %add3A_132 = arith.addi %mul3A_130, %add3A_131 : i32
          %broadcast_in_dim3A_133 = vector.broadcast %add3A_132 : i32 to vector<16xi32>
          %gather3A_134 = tpu.vector_load_idx %arg4[%add3A_3, %broadcast_in_dim3A_133] : memref<64x128xf32, #tpu.memory_space<vmem>>[vector<16xi32>, vector<16xi32>], vector<16xf32>,
          %mul3A_135 = arith.constant 8.000000e+00 : f32
          %mul3A_136 = vector.broadcast %mul3A_135 : f32 to vector<16xf32>
          %mul3A_137 = arith.mulf %gather3A_134, %mul3A_136 : vector<16xf32>
          %swap3A_138 = arith.index_cast %scan3A_98 : i32 to index
          %swap3A_139 = arith.constant 64 : index
          %swap3A_140 = tpu.vector_load %arg6[%swap3A_138, %swap3A_139] {strides = array<i32>} : memref<64x128xf32, #tpu.memory_space<vmem>>, vector<16xf32>,
          tpu.vector_store %arg6[%swap3A_138, %swap3A_139], %mul3A_137 {strides = array<i32>} : memref<64x128xf32, #tpu.memory_space<vmem>>, vector<16xf32>,
          %gather3A_141 = tpu.vector_load_idx %arg4[%add3A_7, %broadcast_in_dim3A_133] : memref<64x128xf32, #tpu.memory_space<vmem>>[vector<16xi32>, vector<16xi32>], vector<16xf32>,
          %mul3A_142 = arith.constant 8.000000e+00 : f32
          %mul3A_143 = vector.broadcast %mul3A_142 : f32 to vector<16xf32>
          %mul3A_144 = arith.mulf %gather3A_141, %mul3A_143 : vector<16xf32>
          %swap3A_145 = arith.index_cast %scan3A_98 : i32 to index
          %swap3A_146 = arith.constant 80 : index
          %swap3A_147 = tpu.vector_load %arg6[%swap3A_145, %swap3A_146] {strides = array<i32>} : memref<64x128xf32, #tpu.memory_space<vmem>>, vector<16xf32>,
          tpu.vector_store %arg6[%swap3A_145, %swap3A_146], %mul3A_144 {strides = array<i32>} : memref<64x128xf32, #tpu.memory_space<vmem>>, vector<16xf32>,
          %gather3A_148 = tpu.vector_load_idx %arg4[%add3A_11, %broadcast_in_dim3A_133] : memref<64x128xf32, #tpu.memory_space<vmem>>[vector<16xi32>, vector<16xi32>], vector<16xf32>,
          %mul3A_149 = arith.constant 8.000000e+00 : f32
          %mul3A_150 = vector.broadcast %mul3A_149 : f32 to vector<16xf32>
          %mul3A_151 = arith.mulf %gather3A_148, %mul3A_150 : vector<16xf32>
          %swap3A_152 = arith.index_cast %scan3A_98 : i32 to index
          %swap3A_153 = arith.constant 96 : index
          %swap3A_154 = tpu.vector_load %arg6[%swap3A_152, %swap3A_153] {strides = array<i32>} : memref<64x128xf32, #tpu.memory_space<vmem>>, vector<16xf32>,
          tpu.vector_store %arg6[%swap3A_152, %swap3A_153], %mul3A_151 {strides = array<i32>} : memref<64x128xf32, #tpu.memory_space<vmem>>, vector<16xf32>,
          %gather3A_155 = tpu.vector_load_idx %arg4[%add3A_15, %broadcast_in_dim3A_133] : memref<64x128xf32, #tpu.memory_space<vmem>>[vector<16xi32>, vector<16xi32>], vector<16xf32>,
          %mul3A_156 = arith.constant 8.000000e+00 : f32
          %mul3A_157 = vector.broadcast %mul3A_156 : f32 to vector<16xf32>
          %mul3A_158 = arith.mulf %gather3A_155, %mul3A_157 : vector<16xf32>
          %swap3A_159 = arith.index_cast %scan3A_98 : i32 to index
          %swap3A_160 = arith.constant 112 : index
          %swap3A_161 = tpu.vector_load %arg6[%swap3A_159, %swap3A_160] {strides = array<i32>} : memref<64x128xf32, #tpu.memory_space<vmem>>, vector<16xf32>,
          tpu.vector_store %arg6[%swap3A_159, %swap3A_160], %mul3A_158 {strides = array<i32>} : memref<64x128xf32, #tpu.memory_space<vmem>>, vector<16xf32>,
        }
        %scan3A_84 = arith.constant 64 : i32
        %mul3A_85 = arith.constant 64 : i32
        %mul3A_86 = arith.muli %add3A_54, %mul3A_85 : i32
        %dma_start3A_87 = arith.constant 0 : i32
        %dma_start3A_88 = tpu.memref_slice %arg3[%mul3A_86, %dma_start3A_87] : memref<500032x128xf32, #tpu.memory_space<hbm>> -> memref<64x128xf32, #tpu.memory_space<hbm>>
        %dma_start3A_89 = arith.constant 0 : i32
        %dma_start3A_90 = tpu.memref_slice %arg3[%mul3A_86, %dma_start3A_89] : memref<500032x128xf32, #tpu.memory_space<hbm>> -> memref<64x128xf32, #tpu.memory_space<hbm>>
        tpu.enqueue_dma source(%arg6 : memref<64x128xf32, #tpu.memory_space<vmem>>) target(%dma_start3A_90 : memref<64x128xf32, #tpu.memory_space<hbm>>) target_semaphore(%arg10 : memref<!tpu.dma_semaphore, #tpu.memory_space<semaphore_mem>>)
        %add3A_91 = arith.constant 64 : i32
        %add3A_92 = arith.addi %add3A_54, %add3A_91 : i32
        %lt3A_93 = arith.constant 7813 : i32
        %lt3A_94 = arith.cmpi slt, %add3A_92, %lt3A_93 : i32
        %convert_element_type3A_95 = arith.extui %lt3A_94 : i1 to i32
        %cond3A_96 = arith.constant 0 : i32
        %cond3A_97 = arith.cmpi ne, %convert_element_type3A_95, %cond3A_96 : i32
        scf.if %cond3A_97 {
          %add3A_98 = arith.constant 64 : i32
          %add3A_99 = arith.addi %add3A_54, %add3A_98 : i32
          %mul3A_100 = arith.constant 128 : i32
          %mul3A_101 = arith.muli %add3A_99, %mul3A_100 : i32
          %dma_start3A_102 = arith.constant 0 : i32
          %dma_start3A_103 = tpu.memref_slice %arg2[%dma_start3A_102, %mul3A_101] : memref<64x1000000xf32, #tpu.memory_space<hbm>> -> memref<64x128xf32, #tpu.memory_space<hbm>>
          %dma_start3A_104 = arith.constant 0 : i32
          %dma_start3A_105 = tpu.memref_slice %arg2[%dma_start3A_104, %mul3A_101] : memref<64x1000000xf32, #tpu.memory_space<hbm>> -> memref<64x128xf32, #tpu.memory_space<hbm>>
          tpu.enqueue_dma source(%dma_start3A_105 : memref<64x128xf32, #tpu.memory_space<hbm>>) target(%arg4 : memref<64x128xf32, #tpu.memory_space<vmem>>) target_semaphore(%arg8 : memref<!tpu.dma_semaphore, #tpu.memory_space<semaphore_mem>>)
        } else {
        }
      } else {
      }
      %mul3A_57 = arith.constant 2 : i32
      %mul3A_58 = arith.muli %mul3A_57, %scan3A_47 : i32
      %add3A_59 = arith.constant 1 : i32
      %add3A_60 = arith.addi %mul3A_58, %add3A_59 : i32
      %mul3A_61 = arith.constant 32 : i32
      %mul3A_62 = arith.muli %mul3A_61, %add3A_60 : i32
      %add3A_63 = arith.addi %add3A, %mul3A_62 : i32
      %lt3A_64 = arith.constant 7813 : i32
      %lt3A_65 = arith.cmpi slt, %add3A_63, %lt3A_64 : i32
      %convert_element_type3A_66 = arith.extui %lt3A_65 : i1 to i32
      %cond3A_67 = arith.constant 0 : i32
      %cond3A_68 = arith.cmpi ne, %convert_element_type3A_66, %cond3A_67 : i32
      scf.if %cond3A_68 {
        %dma_wait3A_69 = arith.constant 0 : i32
        %dma_wait3A_70 = arith.constant 0 : i32
        %dma_wait3A_71 = tpu.memref_slice %arg2[%dma_wait3A_69, %dma_wait3A_70] : memref<64x1000000xf32, #tpu.memory_space<hbm>> -> memref<64x128xf32, #tpu.memory_space<hbm>>
        %dma_wait3A_72 = arith.constant 0 : i32
        %dma_wait3A_73 = arith.constant 0 : i32
        %dma_wait3A_74 = tpu.memref_slice %arg2[%dma_wait3A_72, %dma_wait3A_73] : memref<64x1000000xf32, #tpu.memory_space<hbm>> -> memref<64x128xf32, #tpu.memory_space<hbm>>
        tpu.wait_dma2 semaphore(%arg9 : memref<!tpu.dma_semaphore, #tpu.memory_space<semaphore_mem>>) src(%dma_wait3A_74 : memref<64x128xf32, #tpu.memory_space<hbm>>) dst(%arg5 : memref<64x128xf32, #tpu.memory_space<vmem>>)
        %ge3A = arith.constant 2 : i32
        %ge3A_75 = arith.cmpi sge, %add3A_60, %ge3A : i32
        %convert_element_type3A_76 = arith.extui %ge3A_75 : i1 to i32
        %cond3A_77 = arith.constant 0 : i32
        %cond3A_78 = arith.cmpi ne, %convert_element_type3A_76, %cond3A_77 : i32
        scf.if %cond3A_78 {
          %dma_wait3A_98 = arith.constant 0 : i32
          %dma_wait3A_99 = arith.constant 0 : i32
          %dma_wait3A_100 = tpu.memref_slice %arg3[%dma_wait3A_98, %dma_wait3A_99] : memref<500032x128xf32, #tpu.memory_space<hbm>> -> memref<64x128xf32, #tpu.memory_space<hbm>>
          %dma_wait3A_101 = arith.constant 0 : i32
          %dma_wait3A_102 = arith.constant 0 : i32
          %dma_wait3A_103 = tpu.memref_slice %arg3[%dma_wait3A_101, %dma_wait3A_102] : memref<500032x128xf32, #tpu.memory_space<hbm>> -> memref<64x128xf32, #tpu.memory_space<hbm>>
          tpu.wait_dma2 semaphore(%arg11 : memref<!tpu.dma_semaphore, #tpu.memory_space<semaphore_mem>>) src(%arg7 : memref<64x128xf32, #tpu.memory_space<vmem>>) dst(%dma_wait3A_103 : memref<64x128xf32, #tpu.memory_space<hbm>>)
        } else {
        }
        %scan3A_79 = arith.constant 0 : i32
        %scan3A_80 = arith.constant 0 : i32
        %scan3A_81 = arith.constant 64 : i32
        %scan3A_82 = arith.addi %scan3A_80, %scan3A_81 : i32
        %scan3A_83 = arith.constant 1 : i32
        scf.for %scan3A_98 = %scan3A_80 to %scan3A_82 step %scan3A_83  : i32 {
          %mul3A_99 = arith.constant 2 : i32
          %mul3A_100 = arith.muli %mul3A_99, %scan3A_98 : i32
          %add3A_101 = arith.constant 0 : i32
          %add3A_102 = arith.addi %mul3A_100, %add3A_101 : i32
          %broadcast_in_dim3A = vector.broadcast %add3A_102 : i32 to vector<16xi32>
          %gather3A = tpu.vector_load_idx %arg5[%add3A_3, %broadcast_in_dim3A] : memref<64x128xf32, #tpu.memory_space<vmem>>[vector<16xi32>, vector<16xi32>], vector<16xf32>,
          %mul3A_103 = arith.constant 8.000000e+00 : f32
          %mul3A_104 = vector.broadcast %mul3A_103 : f32 to vector<16xf32>
          %mul3A_105 = arith.mulf %gather3A, %mul3A_104 : vector<16xf32>
          %swap3A = arith.index_cast %scan3A_98 : i32 to index
          %swap3A_106 = arith.constant 0 : index
          %swap3A_107 = tpu.vector_load %arg7[%swap3A, %swap3A_106] {strides = array<i32>} : memref<64x128xf32, #tpu.memory_space<vmem>>, vector<16xf32>,
          tpu.vector_store %arg7[%swap3A, %swap3A_106], %mul3A_105 {strides = array<i32>} : memref<64x128xf32, #tpu.memory_space<vmem>>, vector<16xf32>,
          %gather3A_108 = tpu.vector_load_idx %arg5[%add3A_7, %broadcast_in_dim3A] : memref<64x128xf32, #tpu.memory_space<vmem>>[vector<16xi32>, vector<16xi32>], vector<16xf32>,
          %mul3A_109 = arith.constant 8.000000e+00 : f32
          %mul3A_110 = vector.broadcast %mul3A_109 : f32 to vector<16xf32>
          %mul3A_111 = arith.mulf %gather3A_108, %mul3A_110 : vector<16xf32>
          %swap3A_112 = arith.index_cast %scan3A_98 : i32 to index
          %swap3A_113 = arith.constant 16 : index
          %swap3A_114 = tpu.vector_load %arg7[%swap3A_112, %swap3A_113] {strides = array<i32>} : memref<64x128xf32, #tpu.memory_space<vmem>>, vector<16xf32>,
          tpu.vector_store %arg7[%swap3A_112, %swap3A_113], %mul3A_111 {strides = array<i32>} : memref<64x128xf32, #tpu.memory_space<vmem>>, vector<16xf32>,
          %gather3A_115 = tpu.vector_load_idx %arg5[%add3A_11, %broadcast_in_dim3A] : memref<64x128xf32, #tpu.memory_space<vmem>>[vector<16xi32>, vector<16xi32>], vector<16xf32>,
          %mul3A_116 = arith.constant 8.000000e+00 : f32
          %mul3A_117 = vector.broadcast %mul3A_116 : f32 to vector<16xf32>
          %mul3A_118 = arith.mulf %gather3A_115, %mul3A_117 : vector<16xf32>
          %swap3A_119 = arith.index_cast %scan3A_98 : i32 to index
          %swap3A_120 = arith.constant 32 : index
          %swap3A_121 = tpu.vector_load %arg7[%swap3A_119, %swap3A_120] {strides = array<i32>} : memref<64x128xf32, #tpu.memory_space<vmem>>, vector<16xf32>,
          tpu.vector_store %arg7[%swap3A_119, %swap3A_120], %mul3A_118 {strides = array<i32>} : memref<64x128xf32, #tpu.memory_space<vmem>>, vector<16xf32>,
          %gather3A_122 = tpu.vector_load_idx %arg5[%add3A_15, %broadcast_in_dim3A] : memref<64x128xf32, #tpu.memory_space<vmem>>[vector<16xi32>, vector<16xi32>], vector<16xf32>,
          %mul3A_123 = arith.constant 8.000000e+00 : f32
          %mul3A_124 = vector.broadcast %mul3A_123 : f32 to vector<16xf32>
          %mul3A_125 = arith.mulf %gather3A_122, %mul3A_124 : vector<16xf32>
          %swap3A_126 = arith.index_cast %scan3A_98 : i32 to index
          %swap3A_127 = arith.constant 48 : index
          %swap3A_128 = tpu.vector_load %arg7[%swap3A_126, %swap3A_127] {strides = array<i32>} : memref<64x128xf32, #tpu.memory_space<vmem>>, vector<16xf32>,
          tpu.vector_store %arg7[%swap3A_126, %swap3A_127], %mul3A_125 {strides = array<i32>} : memref<64x128xf32, #tpu.memory_space<vmem>>, vector<16xf32>,
          %mul3A_129 = arith.constant 2 : i32
          %mul3A_130 = arith.muli %mul3A_129, %scan3A_98 : i32
          %add3A_131 = arith.constant 1 : i32
          %add3A_132 = arith.addi %mul3A_130, %add3A_131 : i32
          %broadcast_in_dim3A_133 = vector.broadcast %add3A_132 : i32 to vector<16xi32>
          %gather3A_134 = tpu.vector_load_idx %arg5[%add3A_3, %broadcast_in_dim3A_133] : memref<64x128xf32, #tpu.memory_space<vmem>>[vector<16xi32>, vector<16xi32>], vector<16xf32>,
          %mul3A_135 = arith.constant 8.000000e+00 : f32
          %mul3A_136 = vector.broadcast %mul3A_135 : f32 to vector<16xf32>
          %mul3A_137 = arith.mulf %gather3A_134, %mul3A_136 : vector<16xf32>
          %swap3A_138 = arith.index_cast %scan3A_98 : i32 to index
          %swap3A_139 = arith.constant 64 : index
          %swap3A_140 = tpu.vector_load %arg7[%swap3A_138, %swap3A_139] {strides = array<i32>} : memref<64x128xf32, #tpu.memory_space<vmem>>, vector<16xf32>,
          tpu.vector_store %arg7[%swap3A_138, %swap3A_139], %mul3A_137 {strides = array<i32>} : memref<64x128xf32, #tpu.memory_space<vmem>>, vector<16xf32>,
          %gather3A_141 = tpu.vector_load_idx %arg5[%add3A_7, %broadcast_in_dim3A_133] : memref<64x128xf32, #tpu.memory_space<vmem>>[vector<16xi32>, vector<16xi32>], vector<16xf32>,
          %mul3A_142 = arith.constant 8.000000e+00 : f32
          %mul3A_143 = vector.broadcast %mul3A_142 : f32 to vector<16xf32>
          %mul3A_144 = arith.mulf %gather3A_141, %mul3A_143 : vector<16xf32>
          %swap3A_145 = arith.index_cast %scan3A_98 : i32 to index
          %swap3A_146 = arith.constant 80 : index
          %swap3A_147 = tpu.vector_load %arg7[%swap3A_145, %swap3A_146] {strides = array<i32>} : memref<64x128xf32, #tpu.memory_space<vmem>>, vector<16xf32>,
          tpu.vector_store %arg7[%swap3A_145, %swap3A_146], %mul3A_144 {strides = array<i32>} : memref<64x128xf32, #tpu.memory_space<vmem>>, vector<16xf32>,
          %gather3A_148 = tpu.vector_load_idx %arg5[%add3A_11, %broadcast_in_dim3A_133] : memref<64x128xf32, #tpu.memory_space<vmem>>[vector<16xi32>, vector<16xi32>], vector<16xf32>,
          %mul3A_149 = arith.constant 8.000000e+00 : f32
          %mul3A_150 = vector.broadcast %mul3A_149 : f32 to vector<16xf32>
          %mul3A_151 = arith.mulf %gather3A_148, %mul3A_150 : vector<16xf32>
          %swap3A_152 = arith.index_cast %scan3A_98 : i32 to index
          %swap3A_153 = arith.constant 96 : index
          %swap3A_154 = tpu.vector_load %arg7[%swap3A_152, %swap3A_153] {strides = array<i32>} : memref<64x128xf32, #tpu.memory_space<vmem>>, vector<16xf32>,
          tpu.vector_store %arg7[%swap3A_152, %swap3A_153], %mul3A_151 {strides = array<i32>} : memref<64x128xf32, #tpu.memory_space<vmem>>, vector<16xf32>,
          %gather3A_155 = tpu.vector_load_idx %arg5[%add3A_15, %broadcast_in_dim3A_133] : memref<64x128xf32, #tpu.memory_space<vmem>>[vector<16xi32>, vector<16xi32>], vector<16xf32>,
          %mul3A_156 = arith.constant 8.000000e+00 : f32
          %mul3A_157 = vector.broadcast %mul3A_156 : f32 to vector<16xf32>
          %mul3A_158 = arith.mulf %gather3A_155, %mul3A_157 : vector<16xf32>
          %swap3A_159 = arith.index_cast %scan3A_98 : i32 to index
          %swap3A_160 = arith.constant 112 : index
          %swap3A_161 = tpu.vector_load %arg7[%swap3A_159, %swap3A_160] {strides = array<i32>} : memref<64x128xf32, #tpu.memory_space<vmem>>, vector<16xf32>,
          tpu.vector_store %arg7[%swap3A_159, %swap3A_160], %mul3A_158 {strides = array<i32>} : memref<64x128xf32, #tpu.memory_space<vmem>>, vector<16xf32>,
        }
        %scan3A_84 = arith.constant 64 : i32
        %mul3A_85 = arith.constant 64 : i32
        %mul3A_86 = arith.muli %add3A_63, %mul3A_85 : i32
        %dma_start3A_87 = arith.constant 0 : i32
        %dma_start3A_88 = tpu.memref_slice %arg3[%mul3A_86, %dma_start3A_87] : memref<500032x128xf32, #tpu.memory_space<hbm>> -> memref<64x128xf32, #tpu.memory_space<hbm>>
        %dma_start3A_89 = arith.constant 0 : i32
        %dma_start3A_90 = tpu.memref_slice %arg3[%mul3A_86, %dma_start3A_89] : memref<500032x128xf32, #tpu.memory_space<hbm>> -> memref<64x128xf32, #tpu.memory_space<hbm>>
        tpu.enqueue_dma source(%arg7 : memref<64x128xf32, #tpu.memory_space<vmem>>) target(%dma_start3A_90 : memref<64x128xf32, #tpu.memory_space<hbm>>) target_semaphore(%arg11 : memref<!tpu.dma_semaphore, #tpu.memory_space<semaphore_mem>>)
        %add3A_91 = arith.constant 64 : i32
        %add3A_92 = arith.addi %add3A_63, %add3A_91 : i32
        %lt3A_93 = arith.constant 7813 : i32
        %lt3A_94 = arith.cmpi slt, %add3A_92, %lt3A_93 : i32
        %convert_element_type3A_95 = arith.extui %lt3A_94 : i1 to i32
        %cond3A_96 = arith.constant 0 : i32
        %cond3A_97 = arith.cmpi ne, %convert_element_type3A_95, %cond3A_96 : i32
        scf.if %cond3A_97 {
          %add3A_98 = arith.constant 64 : i32
          %add3A_99 = arith.addi %add3A_63, %add3A_98 : i32
          %mul3A_100 = arith.constant 128 : i32
          %mul3A_101 = arith.muli %add3A_99, %mul3A_100 : i32
          %dma_start3A_102 = arith.constant 0 : i32
          %dma_start3A_103 = tpu.memref_slice %arg2[%dma_start3A_102, %mul3A_101] : memref<64x1000000xf32, #tpu.memory_space<hbm>> -> memref<64x128xf32, #tpu.memory_space<hbm>>
          %dma_start3A_104 = arith.constant 0 : i32
          %dma_start3A_105 = tpu.memref_slice %arg2[%dma_start3A_104, %mul3A_101] : memref<64x1000000xf32, #tpu.memory_space<hbm>> -> memref<64x128xf32, #tpu.memory_space<hbm>>
          tpu.enqueue_dma source(%dma_start3A_105 : memref<64x128xf32, #tpu.memory_space<hbm>>) target(%arg5 : memref<64x128xf32, #tpu.memory_space<vmem>>) target_semaphore(%arg9 : memref<!tpu.dma_semaphore, #tpu.memory_space<semaphore_mem>>)
        } else {
        }
      } else {
      }
    }
    %scan3A_35 = arith.constant 123 : i32
    %dma_wait3A = arith.constant 0 : i32
    %dma_wait3A_36 = arith.constant 0 : i32
    %dma_wait3A_37 = tpu.memref_slice %arg3[%dma_wait3A, %dma_wait3A_36] : memref<500032x128xf32, #tpu.memory_space<hbm>> -> memref<64x128xf32, #tpu.memory_space<hbm>>
    %dma_wait3A_38 = arith.constant 0 : i32
    %dma_wait3A_39 = arith.constant 0 : i32
    %dma_wait3A_40 = tpu.memref_slice %arg3[%dma_wait3A_38, %dma_wait3A_39] : memref<500032x128xf32, #tpu.memory_space<hbm>> -> memref<64x128xf32, #tpu.memory_space<hbm>>
    tpu.wait_dma2 semaphore(%arg10 : memref<!tpu.dma_semaphore, #tpu.memory_space<semaphore_mem>>) src(%arg6 : memref<64x128xf32, #tpu.memory_space<vmem>>) dst(%dma_wait3A_40 : memref<64x128xf32, #tpu.memory_space<hbm>>)
    %dma_wait3A_41 = arith.constant 0 : i32
    %dma_wait3A_42 = arith.constant 0 : i32
    %dma_wait3A_43 = tpu.memref_slice %arg3[%dma_wait3A_41, %dma_wait3A_42] : memref<500032x128xf32, #tpu.memory_space<hbm>> -> memref<64x128xf32, #tpu.memory_space<hbm>>
    %dma_wait3A_44 = arith.constant 0 : i32
    %dma_wait3A_45 = arith.constant 0 : i32
    %dma_wait3A_46 = tpu.memref_slice %arg3[%dma_wait3A_44, %dma_wait3A_45] : memref<500032x128xf32, #tpu.memory_space<hbm>> -> memref<64x128xf32, #tpu.memory_space<hbm>>
    tpu.wait_dma2 semaphore(%arg11 : memref<!tpu.dma_semaphore, #tpu.memory_space<semaphore_mem>>) src(%arg7 : memref<64x128xf32, #tpu.memory_space<vmem>>) dst(%dma_wait3A_46 : memref<64x128xf32, #tpu.memory_space<hbm>>)
    return
  }
}

#map = affine_map<(d0, d1) -> (0, 0)>
#map1 = affine_map<(d0, d1) -> (0)>
#map2 = affine_map<(d0, d1) -> (0, 0, 0)>
module attributes {stable_mosaic.version = 14 : i64} {
  func.func @k2(%arg0: i32, %arg1: i32, %arg2: memref<200x4096xi32, #tpu.memory_space<hbm>>, %arg3: memref<500032x128xf32, #tpu.memory_space<hbm>>, %arg4: memref<12800xf32, #tpu.memory_space<hbm>>, %arg5: memref<200x64x4096xf32, #tpu.memory_space<hbm>>, %arg6: memref<200x128xi32, #tpu.memory_space<vmem>>, %arg7: memref<12800xf32, #tpu.memory_space<vmem>>, %arg8: memref<2x128xi32, #tpu.memory_space<vmem>>, %arg9: memref<2x128xi32, #tpu.memory_space<vmem>>, %arg10: memref<128x128xf32, #tpu.memory_space<vmem>>, %arg11: memref<128x128xf32, #tpu.memory_space<vmem>>, %arg12: memref<64x128xf32, #tpu.memory_space<vmem>>, %arg13: memref<64x128xf32, #tpu.memory_space<vmem>>, %arg14: memref<!tpu.dma_semaphore, #tpu.memory_space<semaphore_mem>>, %arg15: memref<!tpu.dma_semaphore, #tpu.memory_space<semaphore_mem>>, %arg16: memref<!tpu.dma_semaphore, #tpu.memory_space<semaphore_mem>>, %arg17: memref<!tpu.dma_semaphore, #tpu.memory_space<semaphore_mem>>) attributes {dimension_semantics = [#tpu.dimension_semantics<core_parallel>, #tpu.dimension_semantics<subcore_parallel>], iteration_bounds = array<i64: 2, 16>, scalar_prefetch = 0 : i64, scratch_operands = 12 : i64, tpu.core_type = #tpu.core_type<sc_vector_subcore>, window_params = [{transform_indices = #map}, {transform_indices = #map}, {transform_indices = #map1}, {transform_indices = #map2}]} {
    %mul3A = arith.constant 2 : i32
    %mul3A_0 = arith.muli %arg1, %mul3A : i32
    %add3A = arith.addi %mul3A_0, %arg0 : i32
    %mul3A_1 = arith.constant 128 : i32
    %mul3A_2 = arith.muli %add3A, %mul3A_1 : i32
    %iota3A = tpu.iota {dimensions = array<i32: 0>} : vector<16xi32>
    %add3A_3 = arith.constant 0 : i32
    %add3A_4 = vector.broadcast %add3A_3 : i32 to vector<16xi32>
    %add3A_5 = arith.addi %iota3A, %add3A_4 : vector<16xi32>
    %iota3A_6 = tpu.iota {dimensions = array<i32: 0>} : vector<16xi32>
    %add3A_7 = arith.constant 16 : i32
    %add3A_8 = vector.broadcast %add3A_7 : i32 to vector<16xi32>
    %add3A_9 = arith.addi %iota3A_6, %add3A_8 : vector<16xi32>
    %iota3A_10 = tpu.iota {dimensions = array<i32: 0>} : vector<16xi32>
    %add3A_11 = arith.constant 32 : i32
    %add3A_12 = vector.broadcast %add3A_11 : i32 to vector<16xi32>
    %add3A_13 = arith.addi %iota3A_10, %add3A_12 : vector<16xi32>
    %iota3A_14 = tpu.iota {dimensions = array<i32: 0>} : vector<16xi32>
    %add3A_15 = arith.constant 48 : i32
    %add3A_16 = vector.broadcast %add3A_15 : i32 to vector<16xi32>
    %add3A_17 = arith.addi %iota3A_14, %add3A_16 : vector<16xi32>
    %iota3A_18 = tpu.iota {dimensions = array<i32: 0>} : vector<16xi32>
    %add3A_19 = arith.constant 64 : i32
    %add3A_20 = vector.broadcast %add3A_19 : i32 to vector<16xi32>
    %add3A_21 = arith.addi %iota3A_18, %add3A_20 : vector<16xi32>
    %iota3A_22 = tpu.iota {dimensions = array<i32: 0>} : vector<16xi32>
    %add3A_23 = arith.constant 80 : i32
    %add3A_24 = vector.broadcast %add3A_23 : i32 to vector<16xi32>
    %add3A_25 = arith.addi %iota3A_22, %add3A_24 : vector<16xi32>
    %iota3A_26 = tpu.iota {dimensions = array<i32: 0>} : vector<16xi32>
    %add3A_27 = arith.constant 96 : i32
    %add3A_28 = vector.broadcast %add3A_27 : i32 to vector<16xi32>
    %add3A_29 = arith.addi %iota3A_26, %add3A_28 : vector<16xi32>
    %iota3A_30 = tpu.iota {dimensions = array<i32: 0>} : vector<16xi32>
    %add3A_31 = arith.constant 112 : i32
    %add3A_32 = vector.broadcast %add3A_31 : i32 to vector<16xi32>
    %add3A_33 = arith.addi %iota3A_30, %add3A_32 : vector<16xi32>
    "tpu.region"() ({
      %run_scoped3A = tpu.sem_alloc : memref<!tpu.dma_semaphore, #tpu.memory_space<semaphore_mem>>
      %dma_start3A_397 = arith.constant 0 : i32
      %dma_start3A_398 = tpu.memref_slice %arg2[%dma_start3A_397, %mul3A_2] : memref<200x4096xi32, #tpu.memory_space<hbm>> -> memref<200x128xi32, #tpu.memory_space<hbm>>
      %dma_start3A_399 = arith.constant 0 : i32
      %dma_start3A_400 = tpu.memref_slice %arg2[%dma_start3A_399, %mul3A_2] : memref<200x4096xi32, #tpu.memory_space<hbm>> -> memref<200x128xi32, #tpu.memory_space<hbm>>
      tpu.enqueue_dma source(%dma_start3A_400 : memref<200x128xi32, #tpu.memory_space<hbm>>) target(%arg6 : memref<200x128xi32, #tpu.memory_space<vmem>>) target_semaphore(%run_scoped3A : memref<!tpu.dma_semaphore, #tpu.memory_space<semaphore_mem>>)
      %dma_wait3A_401 = arith.constant 0 : i32
      %dma_wait3A_402 = tpu.memref_slice %arg2[%dma_wait3A_401, %mul3A_2] : memref<200x4096xi32, #tpu.memory_space<hbm>> -> memref<200x128xi32, #tpu.memory_space<hbm>>
      %dma_wait3A_403 = arith.constant 0 : i32
      %dma_wait3A_404 = tpu.memref_slice %arg2[%dma_wait3A_403, %mul3A_2] : memref<200x4096xi32, #tpu.memory_space<hbm>> -> memref<200x128xi32, #tpu.memory_space<hbm>>
      tpu.wait_dma2 semaphore(%run_scoped3A : memref<!tpu.dma_semaphore, #tpu.memory_space<semaphore_mem>>) src(%dma_wait3A_404 : memref<200x128xi32, #tpu.memory_space<hbm>>) dst(%arg6 : memref<200x128xi32, #tpu.memory_space<vmem>>)
      tpu.yield
    }) : () -> ()
    "tpu.region"() ({
      %run_scoped3A = tpu.sem_alloc : memref<!tpu.dma_semaphore, #tpu.memory_space<semaphore_mem>>
      tpu.enqueue_dma source(%arg4 : memref<12800xf32, #tpu.memory_space<hbm>>) target(%arg7 : memref<12800xf32, #tpu.memory_space<vmem>>) target_semaphore(%run_scoped3A : memref<!tpu.dma_semaphore, #tpu.memory_space<semaphore_mem>>)
      tpu.wait_dma2 semaphore(%run_scoped3A : memref<!tpu.dma_semaphore, #tpu.memory_space<semaphore_mem>>) src(%arg4 : memref<12800xf32, #tpu.memory_space<hbm>>) dst(%arg7 : memref<12800xf32, #tpu.memory_space<vmem>>)
      tpu.yield
    }) : () -> ()
    %get3A = arith.constant 0 : i32
    %get3A_34 = arith.index_cast %get3A : i32 to index
    %get3A_35 = arith.constant 0 : index
    %get3A_36 = tpu.vector_load %arg6[%get3A_34, %get3A_35] {strides = array<i32>} : memref<200x128xi32, #tpu.memory_space<vmem>>, vector<16xi32>,
    %shift_right_logical3A = arith.constant 1 : i32
    %shift_right_logical3A_37 = vector.broadcast %shift_right_logical3A : i32 to vector<16xi32>
    %shift_right_logical3A_38 = arith.shrui %get3A_36, %shift_right_logical3A_37 : vector<16xi32>
    %swap3A = arith.constant 0 : i32
    %swap3A_39 = arith.index_cast %swap3A : i32 to index
    %swap3A_40 = arith.constant 0 : index
    %swap3A_41 = tpu.vector_load %arg8[%swap3A_39, %swap3A_40] {strides = array<i32>} : memref<2x128xi32, #tpu.memory_space<vmem>>, vector<16xi32>,
    tpu.vector_store %arg8[%swap3A_39, %swap3A_40], %shift_right_logical3A_38 {strides = array<i32>} : memref<2x128xi32, #tpu.memory_space<vmem>>, vector<16xi32>,
    %and3A = arith.constant 1 : i32
    %and3A_42 = vector.broadcast %and3A : i32 to vector<16xi32>
    %and3A_43 = arith.andi %get3A_36, %and3A_42 : vector<16xi32>
    %mul3A_44 = arith.constant 64 : i32
    %mul3A_45 = vector.broadcast %mul3A_44 : i32 to vector<16xi32>
    %mul3A_46 = arith.muli %and3A_43, %mul3A_45 : vector<16xi32>
    %swap3A_47 = arith.constant 0 : i32
    %swap3A_48 = arith.index_cast %swap3A_47 : i32 to index
    %swap3A_49 = arith.constant 0 : index
    %swap3A_50 = tpu.vector_load %arg9[%swap3A_48, %swap3A_49] {strides = array<i32>} : memref<2x128xi32, #tpu.memory_space<vmem>>, vector<16xi32>,
    tpu.vector_store %arg9[%swap3A_48, %swap3A_49], %mul3A_46 {strides = array<i32>} : memref<2x128xi32, #tpu.memory_space<vmem>>, vector<16xi32>,
    %get3A_51 = arith.constant 0 : i32
    %get3A_52 = arith.index_cast %get3A_51 : i32 to index
    %get3A_53 = arith.constant 16 : index
    %get3A_54 = tpu.vector_load %arg6[%get3A_52, %get3A_53] {strides = array<i32>} : memref<200x128xi32, #tpu.memory_space<vmem>>, vector<16xi32>,
    %shift_right_logical3A_55 = arith.constant 1 : i32
    %shift_right_logical3A_56 = vector.broadcast %shift_right_logical3A_55 : i32 to vector<16xi32>
    %shift_right_logical3A_57 = arith.shrui %get3A_54, %shift_right_logical3A_56 : vector<16xi32>
    %swap3A_58 = arith.constant 0 : i32
    %swap3A_59 = arith.index_cast %swap3A_58 : i32 to index
    %swap3A_60 = arith.constant 16 : index
    %swap3A_61 = tpu.vector_load %arg8[%swap3A_59, %swap3A_60] {strides = array<i32>} : memref<2x128xi32, #tpu.memory_space<vmem>>, vector<16xi32>,
    tpu.vector_store %arg8[%swap3A_59, %swap3A_60], %shift_right_logical3A_57 {strides = array<i32>} : memref<2x128xi32, #tpu.memory_space<vmem>>, vector<16xi32>,
    %and3A_62 = arith.constant 1 : i32
    %and3A_63 = vector.broadcast %and3A_62 : i32 to vector<16xi32>
    %and3A_64 = arith.andi %get3A_54, %and3A_63 : vector<16xi32>
    %mul3A_65 = arith.constant 64 : i32
    %mul3A_66 = vector.broadcast %mul3A_65 : i32 to vector<16xi32>
    %mul3A_67 = arith.muli %and3A_64, %mul3A_66 : vector<16xi32>
    %swap3A_68 = arith.constant 0 : i32
    %swap3A_69 = arith.index_cast %swap3A_68 : i32 to index
    %swap3A_70 = arith.constant 16 : index
    %swap3A_71 = tpu.vector_load %arg9[%swap3A_69, %swap3A_70] {strides = array<i32>} : memref<2x128xi32, #tpu.memory_space<vmem>>, vector<16xi32>,
    tpu.vector_store %arg9[%swap3A_69, %swap3A_70], %mul3A_67 {strides = array<i32>} : memref<2x128xi32, #tpu.memory_space<vmem>>, vector<16xi32>,
    %get3A_72 = arith.constant 0 : i32
    %get3A_73 = arith.index_cast %get3A_72 : i32 to index
    %get3A_74 = arith.constant 32 : index
    %get3A_75 = tpu.vector_load %arg6[%get3A_73, %get3A_74] {strides = array<i32>} : memref<200x128xi32, #tpu.memory_space<vmem>>, vector<16xi32>,
    %shift_right_logical3A_76 = arith.constant 1 : i32
    %shift_right_logical3A_77 = vector.broadcast %shift_right_logical3A_76 : i32 to vector<16xi32>
    %shift_right_logical3A_78 = arith.shrui %get3A_75, %shift_right_logical3A_77 : vector<16xi32>
    %swap3A_79 = arith.constant 0 : i32
    %swap3A_80 = arith.index_cast %swap3A_79 : i32 to index
    %swap3A_81 = arith.constant 32 : index
    %swap3A_82 = tpu.vector_load %arg8[%swap3A_80, %swap3A_81] {strides = array<i32>} : memref<2x128xi32, #tpu.memory_space<vmem>>, vector<16xi32>,
    tpu.vector_store %arg8[%swap3A_80, %swap3A_81], %shift_right_logical3A_78 {strides = array<i32>} : memref<2x128xi32, #tpu.memory_space<vmem>>, vector<16xi32>,
    %and3A_83 = arith.constant 1 : i32
    %and3A_84 = vector.broadcast %and3A_83 : i32 to vector<16xi32>
    %and3A_85 = arith.andi %get3A_75, %and3A_84 : vector<16xi32>
    %mul3A_86 = arith.constant 64 : i32
    %mul3A_87 = vector.broadcast %mul3A_86 : i32 to vector<16xi32>
    %mul3A_88 = arith.muli %and3A_85, %mul3A_87 : vector<16xi32>
    %swap3A_89 = arith.constant 0 : i32
    %swap3A_90 = arith.index_cast %swap3A_89 : i32 to index
    %swap3A_91 = arith.constant 32 : index
    %swap3A_92 = tpu.vector_load %arg9[%swap3A_90, %swap3A_91] {strides = array<i32>} : memref<2x128xi32, #tpu.memory_space<vmem>>, vector<16xi32>,
    tpu.vector_store %arg9[%swap3A_90, %swap3A_91], %mul3A_88 {strides = array<i32>} : memref<2x128xi32, #tpu.memory_space<vmem>>, vector<16xi32>,
    %get3A_93 = arith.constant 0 : i32
    %get3A_94 = arith.index_cast %get3A_93 : i32 to index
    %get3A_95 = arith.constant 48 : index
    %get3A_96 = tpu.vector_load %arg6[%get3A_94, %get3A_95] {strides = array<i32>} : memref<200x128xi32, #tpu.memory_space<vmem>>, vector<16xi32>,
    %shift_right_logical3A_97 = arith.constant 1 : i32
    %shift_right_logical3A_98 = vector.broadcast %shift_right_logical3A_97 : i32 to vector<16xi32>
    %shift_right_logical3A_99 = arith.shrui %get3A_96, %shift_right_logical3A_98 : vector<16xi32>
    %swap3A_100 = arith.constant 0 : i32
    %swap3A_101 = arith.index_cast %swap3A_100 : i32 to index
    %swap3A_102 = arith.constant 48 : index
    %swap3A_103 = tpu.vector_load %arg8[%swap3A_101, %swap3A_102] {strides = array<i32>} : memref<2x128xi32, #tpu.memory_space<vmem>>, vector<16xi32>,
    tpu.vector_store %arg8[%swap3A_101, %swap3A_102], %shift_right_logical3A_99 {strides = array<i32>} : memref<2x128xi32, #tpu.memory_space<vmem>>, vector<16xi32>,
    %and3A_104 = arith.constant 1 : i32
    %and3A_105 = vector.broadcast %and3A_104 : i32 to vector<16xi32>
    %and3A_106 = arith.andi %get3A_96, %and3A_105 : vector<16xi32>
    %mul3A_107 = arith.constant 64 : i32
    %mul3A_108 = vector.broadcast %mul3A_107 : i32 to vector<16xi32>
    %mul3A_109 = arith.muli %and3A_106, %mul3A_108 : vector<16xi32>
    %swap3A_110 = arith.constant 0 : i32
    %swap3A_111 = arith.index_cast %swap3A_110 : i32 to index
    %swap3A_112 = arith.constant 48 : index
    %swap3A_113 = tpu.vector_load %arg9[%swap3A_111, %swap3A_112] {strides = array<i32>} : memref<2x128xi32, #tpu.memory_space<vmem>>, vector<16xi32>,
    tpu.vector_store %arg9[%swap3A_111, %swap3A_112], %mul3A_109 {strides = array<i32>} : memref<2x128xi32, #tpu.memory_space<vmem>>, vector<16xi32>,
    %get3A_114 = arith.constant 0 : i32
    %get3A_115 = arith.index_cast %get3A_114 : i32 to index
    %get3A_116 = arith.constant 64 : index
    %get3A_117 = tpu.vector_load %arg6[%get3A_115, %get3A_116] {strides = array<i32>} : memref<200x128xi32, #tpu.memory_space<vmem>>, vector<16xi32>,
    %shift_right_logical3A_118 = arith.constant 1 : i32
    %shift_right_logical3A_119 = vector.broadcast %shift_right_logical3A_118 : i32 to vector<16xi32>
    %shift_right_logical3A_120 = arith.shrui %get3A_117, %shift_right_logical3A_119 : vector<16xi32>
    %swap3A_121 = arith.constant 0 : i32
    %swap3A_122 = arith.index_cast %swap3A_121 : i32 to index
    %swap3A_123 = arith.constant 64 : index
    %swap3A_124 = tpu.vector_load %arg8[%swap3A_122, %swap3A_123] {strides = array<i32>} : memref<2x128xi32, #tpu.memory_space<vmem>>, vector<16xi32>,
    tpu.vector_store %arg8[%swap3A_122, %swap3A_123], %shift_right_logical3A_120 {strides = array<i32>} : memref<2x128xi32, #tpu.memory_space<vmem>>, vector<16xi32>,
    %and3A_125 = arith.constant 1 : i32
    %and3A_126 = vector.broadcast %and3A_125 : i32 to vector<16xi32>
    %and3A_127 = arith.andi %get3A_117, %and3A_126 : vector<16xi32>
    %mul3A_128 = arith.constant 64 : i32
    %mul3A_129 = vector.broadcast %mul3A_128 : i32 to vector<16xi32>
    %mul3A_130 = arith.muli %and3A_127, %mul3A_129 : vector<16xi32>
    %swap3A_131 = arith.constant 0 : i32
    %swap3A_132 = arith.index_cast %swap3A_131 : i32 to index
    %swap3A_133 = arith.constant 64 : index
    %swap3A_134 = tpu.vector_load %arg9[%swap3A_132, %swap3A_133] {strides = array<i32>} : memref<2x128xi32, #tpu.memory_space<vmem>>, vector<16xi32>,
    tpu.vector_store %arg9[%swap3A_132, %swap3A_133], %mul3A_130 {strides = array<i32>} : memref<2x128xi32, #tpu.memory_space<vmem>>, vector<16xi32>,
    %get3A_135 = arith.constant 0 : i32
    %get3A_136 = arith.index_cast %get3A_135 : i32 to index
    %get3A_137 = arith.constant 80 : index
    %get3A_138 = tpu.vector_load %arg6[%get3A_136, %get3A_137] {strides = array<i32>} : memref<200x128xi32, #tpu.memory_space<vmem>>, vector<16xi32>,
    %shift_right_logical3A_139 = arith.constant 1 : i32
    %shift_right_logical3A_140 = vector.broadcast %shift_right_logical3A_139 : i32 to vector<16xi32>
    %shift_right_logical3A_141 = arith.shrui %get3A_138, %shift_right_logical3A_140 : vector<16xi32>
    %swap3A_142 = arith.constant 0 : i32
    %swap3A_143 = arith.index_cast %swap3A_142 : i32 to index
    %swap3A_144 = arith.constant 80 : index
    %swap3A_145 = tpu.vector_load %arg8[%swap3A_143, %swap3A_144] {strides = array<i32>} : memref<2x128xi32, #tpu.memory_space<vmem>>, vector<16xi32>,
    tpu.vector_store %arg8[%swap3A_143, %swap3A_144], %shift_right_logical3A_141 {strides = array<i32>} : memref<2x128xi32, #tpu.memory_space<vmem>>, vector<16xi32>,
    %and3A_146 = arith.constant 1 : i32
    %and3A_147 = vector.broadcast %and3A_146 : i32 to vector<16xi32>
    %and3A_148 = arith.andi %get3A_138, %and3A_147 : vector<16xi32>
    %mul3A_149 = arith.constant 64 : i32
    %mul3A_150 = vector.broadcast %mul3A_149 : i32 to vector<16xi32>
    %mul3A_151 = arith.muli %and3A_148, %mul3A_150 : vector<16xi32>
    %swap3A_152 = arith.constant 0 : i32
    %swap3A_153 = arith.index_cast %swap3A_152 : i32 to index
    %swap3A_154 = arith.constant 80 : index
    %swap3A_155 = tpu.vector_load %arg9[%swap3A_153, %swap3A_154] {strides = array<i32>} : memref<2x128xi32, #tpu.memory_space<vmem>>, vector<16xi32>,
    tpu.vector_store %arg9[%swap3A_153, %swap3A_154], %mul3A_151 {strides = array<i32>} : memref<2x128xi32, #tpu.memory_space<vmem>>, vector<16xi32>,
    %get3A_156 = arith.constant 0 : i32
    %get3A_157 = arith.index_cast %get3A_156 : i32 to index
    %get3A_158 = arith.constant 96 : index
    %get3A_159 = tpu.vector_load %arg6[%get3A_157, %get3A_158] {strides = array<i32>} : memref<200x128xi32, #tpu.memory_space<vmem>>, vector<16xi32>,
    %shift_right_logical3A_160 = arith.constant 1 : i32
    %shift_right_logical3A_161 = vector.broadcast %shift_right_logical3A_160 : i32 to vector<16xi32>
    %shift_right_logical3A_162 = arith.shrui %get3A_159, %shift_right_logical3A_161 : vector<16xi32>
    %swap3A_163 = arith.constant 0 : i32
    %swap3A_164 = arith.index_cast %swap3A_163 : i32 to index
    %swap3A_165 = arith.constant 96 : index
    %swap3A_166 = tpu.vector_load %arg8[%swap3A_164, %swap3A_165] {strides = array<i32>} : memref<2x128xi32, #tpu.memory_space<vmem>>, vector<16xi32>,
    tpu.vector_store %arg8[%swap3A_164, %swap3A_165], %shift_right_logical3A_162 {strides = array<i32>} : memref<2x128xi32, #tpu.memory_space<vmem>>, vector<16xi32>,
    %and3A_167 = arith.constant 1 : i32
    %and3A_168 = vector.broadcast %and3A_167 : i32 to vector<16xi32>
    %and3A_169 = arith.andi %get3A_159, %and3A_168 : vector<16xi32>
    %mul3A_170 = arith.constant 64 : i32
    %mul3A_171 = vector.broadcast %mul3A_170 : i32 to vector<16xi32>
    %mul3A_172 = arith.muli %and3A_169, %mul3A_171 : vector<16xi32>
    %swap3A_173 = arith.constant 0 : i32
    %swap3A_174 = arith.index_cast %swap3A_173 : i32 to index
    %swap3A_175 = arith.constant 96 : index
    %swap3A_176 = tpu.vector_load %arg9[%swap3A_174, %swap3A_175] {strides = array<i32>} : memref<2x128xi32, #tpu.memory_space<vmem>>, vector<16xi32>,
    tpu.vector_store %arg9[%swap3A_174, %swap3A_175], %mul3A_172 {strides = array<i32>} : memref<2x128xi32, #tpu.memory_space<vmem>>, vector<16xi32>,
    %get3A_177 = arith.constant 0 : i32
    %get3A_178 = arith.index_cast %get3A_177 : i32 to index
    %get3A_179 = arith.constant 112 : index
    %get3A_180 = tpu.vector_load %arg6[%get3A_178, %get3A_179] {strides = array<i32>} : memref<200x128xi32, #tpu.memory_space<vmem>>, vector<16xi32>,
    %shift_right_logical3A_181 = arith.constant 1 : i32
    %shift_right_logical3A_182 = vector.broadcast %shift_right_logical3A_181 : i32 to vector<16xi32>
    %shift_right_logical3A_183 = arith.shrui %get3A_180, %shift_right_logical3A_182 : vector<16xi32>
    %swap3A_184 = arith.constant 0 : i32
    %swap3A_185 = arith.index_cast %swap3A_184 : i32 to index
    %swap3A_186 = arith.constant 112 : index
    %swap3A_187 = tpu.vector_load %arg8[%swap3A_185, %swap3A_186] {strides = array<i32>} : memref<2x128xi32, #tpu.memory_space<vmem>>, vector<16xi32>,
    tpu.vector_store %arg8[%swap3A_185, %swap3A_186], %shift_right_logical3A_183 {strides = array<i32>} : memref<2x128xi32, #tpu.memory_space<vmem>>, vector<16xi32>,
    %and3A_188 = arith.constant 1 : i32
    %and3A_189 = vector.broadcast %and3A_188 : i32 to vector<16xi32>
    %and3A_190 = arith.andi %get3A_180, %and3A_189 : vector<16xi32>
    %mul3A_191 = arith.constant 64 : i32
    %mul3A_192 = vector.broadcast %mul3A_191 : i32 to vector<16xi32>
    %mul3A_193 = arith.muli %and3A_190, %mul3A_192 : vector<16xi32>
    %swap3A_194 = arith.constant 0 : i32
    %swap3A_195 = arith.index_cast %swap3A_194 : i32 to index
    %swap3A_196 = arith.constant 112 : index
    %swap3A_197 = tpu.vector_load %arg9[%swap3A_195, %swap3A_196] {strides = array<i32>} : memref<2x128xi32, #tpu.memory_space<vmem>>, vector<16xi32>,
    tpu.vector_store %arg9[%swap3A_195, %swap3A_196], %mul3A_193 {strides = array<i32>} : memref<2x128xi32, #tpu.memory_space<vmem>>, vector<16xi32>,
    %dma_start3A = arith.constant 0 : i32
    %dma_start3A_198 = arith.constant 0 : i32
    %dma_start3A_199 = tpu.memref_slice %arg8[%dma_start3A, %dma_start3A_198] : memref<2x128xi32, #tpu.memory_space<vmem>> -> memref<1x128xi32, #tpu.memory_space<vmem>>
    %dma_start3A_200 = tpu.memref_squeeze %dma_start3A_199 : memref<1x128xi32, #tpu.memory_space<vmem>> -> memref<128xi32, #tpu.memory_space<vmem>>
    %dma_start3A_201 = arith.constant 0 : i32
    %dma_start3A_202 = arith.constant 0 : i32
    %dma_start3A_203 = tpu.memref_slice %arg3[%dma_start3A_201, %dma_start3A_202] : memref<500032x128xf32, #tpu.memory_space<hbm>> -> memref<500032x128xf32, #tpu.memory_space<hbm>>
    tpu.enqueue_indirect_dma source(%dma_start3A_203 : memref<500032x128xf32, #tpu.memory_space<hbm>>) target(%arg10 : memref<128x128xf32, #tpu.memory_space<vmem>>) offsets(%dma_start3A_200 : memref<128xi32, #tpu.memory_space<vmem>>) semaphore(%arg14 : memref<!tpu.dma_semaphore, #tpu.memory_space<semaphore_mem>>)
    %get3A_204 = arith.constant 1 : i32
    %get3A_205 = arith.index_cast %get3A_204 : i32 to index
    %get3A_206 = arith.constant 0 : index
    %get3A_207 = tpu.vector_load %arg6[%get3A_205, %get3A_206] {strides = array<i32>} : memref<200x128xi32, #tpu.memory_space<vmem>>, vector<16xi32>,
    %shift_right_logical3A_208 = arith.constant 1 : i32
    %shift_right_logical3A_209 = vector.broadcast %shift_right_logical3A_208 : i32 to vector<16xi32>
    %shift_right_logical3A_210 = arith.shrui %get3A_207, %shift_right_logical3A_209 : vector<16xi32>
    %swap3A_211 = arith.constant 1 : i32
    %swap3A_212 = arith.index_cast %swap3A_211 : i32 to index
    %swap3A_213 = arith.constant 0 : index
    %swap3A_214 = tpu.vector_load %arg8[%swap3A_212, %swap3A_213] {strides = array<i32>} : memref<2x128xi32, #tpu.memory_space<vmem>>, vector<16xi32>,
    tpu.vector_store %arg8[%swap3A_212, %swap3A_213], %shift_right_logical3A_210 {strides = array<i32>} : memref<2x128xi32, #tpu.memory_space<vmem>>, vector<16xi32>,
    %and3A_215 = arith.constant 1 : i32
    %and3A_216 = vector.broadcast %and3A_215 : i32 to vector<16xi32>
    %and3A_217 = arith.andi %get3A_207, %and3A_216 : vector<16xi32>
    %mul3A_218 = arith.constant 64 : i32
    %mul3A_219 = vector.broadcast %mul3A_218 : i32 to vector<16xi32>
    %mul3A_220 = arith.muli %and3A_217, %mul3A_219 : vector<16xi32>
    %swap3A_221 = arith.constant 1 : i32
    %swap3A_222 = arith.index_cast %swap3A_221 : i32 to index
    %swap3A_223 = arith.constant 0 : index
    %swap3A_224 = tpu.vector_load %arg9[%swap3A_222, %swap3A_223] {strides = array<i32>} : memref<2x128xi32, #tpu.memory_space<vmem>>, vector<16xi32>,
    tpu.vector_store %arg9[%swap3A_222, %swap3A_223], %mul3A_220 {strides = array<i32>} : memref<2x128xi32, #tpu.memory_space<vmem>>, vector<16xi32>,
    %get3A_225 = arith.constant 1 : i32
    %get3A_226 = arith.index_cast %get3A_225 : i32 to index
    %get3A_227 = arith.constant 16 : index
    %get3A_228 = tpu.vector_load %arg6[%get3A_226, %get3A_227] {strides = array<i32>} : memref<200x128xi32, #tpu.memory_space<vmem>>, vector<16xi32>,
    %shift_right_logical3A_229 = arith.constant 1 : i32
    %shift_right_logical3A_230 = vector.broadcast %shift_right_logical3A_229 : i32 to vector<16xi32>
    %shift_right_logical3A_231 = arith.shrui %get3A_228, %shift_right_logical3A_230 : vector<16xi32>
    %swap3A_232 = arith.constant 1 : i32
    %swap3A_233 = arith.index_cast %swap3A_232 : i32 to index
    %swap3A_234 = arith.constant 16 : index
    %swap3A_235 = tpu.vector_load %arg8[%swap3A_233, %swap3A_234] {strides = array<i32>} : memref<2x128xi32, #tpu.memory_space<vmem>>, vector<16xi32>,
    tpu.vector_store %arg8[%swap3A_233, %swap3A_234], %shift_right_logical3A_231 {strides = array<i32>} : memref<2x128xi32, #tpu.memory_space<vmem>>, vector<16xi32>,
    %and3A_236 = arith.constant 1 : i32
    %and3A_237 = vector.broadcast %and3A_236 : i32 to vector<16xi32>
    %and3A_238 = arith.andi %get3A_228, %and3A_237 : vector<16xi32>
    %mul3A_239 = arith.constant 64 : i32
    %mul3A_240 = vector.broadcast %mul3A_239 : i32 to vector<16xi32>
    %mul3A_241 = arith.muli %and3A_238, %mul3A_240 : vector<16xi32>
    %swap3A_242 = arith.constant 1 : i32
    %swap3A_243 = arith.index_cast %swap3A_242 : i32 to index
    %swap3A_244 = arith.constant 16 : index
    %swap3A_245 = tpu.vector_load %arg9[%swap3A_243, %swap3A_244] {strides = array<i32>} : memref<2x128xi32, #tpu.memory_space<vmem>>, vector<16xi32>,
    tpu.vector_store %arg9[%swap3A_243, %swap3A_244], %mul3A_241 {strides = array<i32>} : memref<2x128xi32, #tpu.memory_space<vmem>>, vector<16xi32>,
    %get3A_246 = arith.constant 1 : i32
    %get3A_247 = arith.index_cast %get3A_246 : i32 to index
    %get3A_248 = arith.constant 32 : index
    %get3A_249 = tpu.vector_load %arg6[%get3A_247, %get3A_248] {strides = array<i32>} : memref<200x128xi32, #tpu.memory_space<vmem>>, vector<16xi32>,
    %shift_right_logical3A_250 = arith.constant 1 : i32
    %shift_right_logical3A_251 = vector.broadcast %shift_right_logical3A_250 : i32 to vector<16xi32>
    %shift_right_logical3A_252 = arith.shrui %get3A_249, %shift_right_logical3A_251 : vector<16xi32>
    %swap3A_253 = arith.constant 1 : i32
    %swap3A_254 = arith.index_cast %swap3A_253 : i32 to index
    %swap3A_255 = arith.constant 32 : index
    %swap3A_256 = tpu.vector_load %arg8[%swap3A_254, %swap3A_255] {strides = array<i32>} : memref<2x128xi32, #tpu.memory_space<vmem>>, vector<16xi32>,
    tpu.vector_store %arg8[%swap3A_254, %swap3A_255], %shift_right_logical3A_252 {strides = array<i32>} : memref<2x128xi32, #tpu.memory_space<vmem>>, vector<16xi32>,
    %and3A_257 = arith.constant 1 : i32
    %and3A_258 = vector.broadcast %and3A_257 : i32 to vector<16xi32>
    %and3A_259 = arith.andi %get3A_249, %and3A_258 : vector<16xi32>
    %mul3A_260 = arith.constant 64 : i32
    %mul3A_261 = vector.broadcast %mul3A_260 : i32 to vector<16xi32>
    %mul3A_262 = arith.muli %and3A_259, %mul3A_261 : vector<16xi32>
    %swap3A_263 = arith.constant 1 : i32
    %swap3A_264 = arith.index_cast %swap3A_263 : i32 to index
    %swap3A_265 = arith.constant 32 : index
    %swap3A_266 = tpu.vector_load %arg9[%swap3A_264, %swap3A_265] {strides = array<i32>} : memref<2x128xi32, #tpu.memory_space<vmem>>, vector<16xi32>,
    tpu.vector_store %arg9[%swap3A_264, %swap3A_265], %mul3A_262 {strides = array<i32>} : memref<2x128xi32, #tpu.memory_space<vmem>>, vector<16xi32>,
    %get3A_267 = arith.constant 1 : i32
    %get3A_268 = arith.index_cast %get3A_267 : i32 to index
    %get3A_269 = arith.constant 48 : index
    %get3A_270 = tpu.vector_load %arg6[%get3A_268, %get3A_269] {strides = array<i32>} : memref<200x128xi32, #tpu.memory_space<vmem>>, vector<16xi32>,
    %shift_right_logical3A_271 = arith.constant 1 : i32
    %shift_right_logical3A_272 = vector.broadcast %shift_right_logical3A_271 : i32 to vector<16xi32>
    %shift_right_logical3A_273 = arith.shrui %get3A_270, %shift_right_logical3A_272 : vector<16xi32>
    %swap3A_274 = arith.constant 1 : i32
    %swap3A_275 = arith.index_cast %swap3A_274 : i32 to index
    %swap3A_276 = arith.constant 48 : index
    %swap3A_277 = tpu.vector_load %arg8[%swap3A_275, %swap3A_276] {strides = array<i32>} : memref<2x128xi32, #tpu.memory_space<vmem>>, vector<16xi32>,
    tpu.vector_store %arg8[%swap3A_275, %swap3A_276], %shift_right_logical3A_273 {strides = array<i32>} : memref<2x128xi32, #tpu.memory_space<vmem>>, vector<16xi32>,
    %and3A_278 = arith.constant 1 : i32
    %and3A_279 = vector.broadcast %and3A_278 : i32 to vector<16xi32>
    %and3A_280 = arith.andi %get3A_270, %and3A_279 : vector<16xi32>
    %mul3A_281 = arith.constant 64 : i32
    %mul3A_282 = vector.broadcast %mul3A_281 : i32 to vector<16xi32>
    %mul3A_283 = arith.muli %and3A_280, %mul3A_282 : vector<16xi32>
    %swap3A_284 = arith.constant 1 : i32
    %swap3A_285 = arith.index_cast %swap3A_284 : i32 to index
    %swap3A_286 = arith.constant 48 : index
    %swap3A_287 = tpu.vector_load %arg9[%swap3A_285, %swap3A_286] {strides = array<i32>} : memref<2x128xi32, #tpu.memory_space<vmem>>, vector<16xi32>,
    tpu.vector_store %arg9[%swap3A_285, %swap3A_286], %mul3A_283 {strides = array<i32>} : memref<2x128xi32, #tpu.memory_space<vmem>>, vector<16xi32>,
    %get3A_288 = arith.constant 1 : i32
    %get3A_289 = arith.index_cast %get3A_288 : i32 to index
    %get3A_290 = arith.constant 64 : index
    %get3A_291 = tpu.vector_load %arg6[%get3A_289, %get3A_290] {strides = array<i32>} : memref<200x128xi32, #tpu.memory_space<vmem>>, vector<16xi32>,
    %shift_right_logical3A_292 = arith.constant 1 : i32
    %shift_right_logical3A_293 = vector.broadcast %shift_right_logical3A_292 : i32 to vector<16xi32>
    %shift_right_logical3A_294 = arith.shrui %get3A_291, %shift_right_logical3A_293 : vector<16xi32>
    %swap3A_295 = arith.constant 1 : i32
    %swap3A_296 = arith.index_cast %swap3A_295 : i32 to index
    %swap3A_297 = arith.constant 64 : index
    %swap3A_298 = tpu.vector_load %arg8[%swap3A_296, %swap3A_297] {strides = array<i32>} : memref<2x128xi32, #tpu.memory_space<vmem>>, vector<16xi32>,
    tpu.vector_store %arg8[%swap3A_296, %swap3A_297], %shift_right_logical3A_294 {strides = array<i32>} : memref<2x128xi32, #tpu.memory_space<vmem>>, vector<16xi32>,
    %and3A_299 = arith.constant 1 : i32
    %and3A_300 = vector.broadcast %and3A_299 : i32 to vector<16xi32>
    %and3A_301 = arith.andi %get3A_291, %and3A_300 : vector<16xi32>
    %mul3A_302 = arith.constant 64 : i32
    %mul3A_303 = vector.broadcast %mul3A_302 : i32 to vector<16xi32>
    %mul3A_304 = arith.muli %and3A_301, %mul3A_303 : vector<16xi32>
    %swap3A_305 = arith.constant 1 : i32
    %swap3A_306 = arith.index_cast %swap3A_305 : i32 to index
    %swap3A_307 = arith.constant 64 : index
    %swap3A_308 = tpu.vector_load %arg9[%swap3A_306, %swap3A_307] {strides = array<i32>} : memref<2x128xi32, #tpu.memory_space<vmem>>, vector<16xi32>,
    tpu.vector_store %arg9[%swap3A_306, %swap3A_307], %mul3A_304 {strides = array<i32>} : memref<2x128xi32, #tpu.memory_space<vmem>>, vector<16xi32>,
    %get3A_309 = arith.constant 1 : i32
    %get3A_310 = arith.index_cast %get3A_309 : i32 to index
    %get3A_311 = arith.constant 80 : index
    %get3A_312 = tpu.vector_load %arg6[%get3A_310, %get3A_311] {strides = array<i32>} : memref<200x128xi32, #tpu.memory_space<vmem>>, vector<16xi32>,
    %shift_right_logical3A_313 = arith.constant 1 : i32
    %shift_right_logical3A_314 = vector.broadcast %shift_right_logical3A_313 : i32 to vector<16xi32>
    %shift_right_logical3A_315 = arith.shrui %get3A_312, %shift_right_logical3A_314 : vector<16xi32>
    %swap3A_316 = arith.constant 1 : i32
    %swap3A_317 = arith.index_cast %swap3A_316 : i32 to index
    %swap3A_318 = arith.constant 80 : index
    %swap3A_319 = tpu.vector_load %arg8[%swap3A_317, %swap3A_318] {strides = array<i32>} : memref<2x128xi32, #tpu.memory_space<vmem>>, vector<16xi32>,
    tpu.vector_store %arg8[%swap3A_317, %swap3A_318], %shift_right_logical3A_315 {strides = array<i32>} : memref<2x128xi32, #tpu.memory_space<vmem>>, vector<16xi32>,
    %and3A_320 = arith.constant 1 : i32
    %and3A_321 = vector.broadcast %and3A_320 : i32 to vector<16xi32>
    %and3A_322 = arith.andi %get3A_312, %and3A_321 : vector<16xi32>
    %mul3A_323 = arith.constant 64 : i32
    %mul3A_324 = vector.broadcast %mul3A_323 : i32 to vector<16xi32>
    %mul3A_325 = arith.muli %and3A_322, %mul3A_324 : vector<16xi32>
    %swap3A_326 = arith.constant 1 : i32
    %swap3A_327 = arith.index_cast %swap3A_326 : i32 to index
    %swap3A_328 = arith.constant 80 : index
    %swap3A_329 = tpu.vector_load %arg9[%swap3A_327, %swap3A_328] {strides = array<i32>} : memref<2x128xi32, #tpu.memory_space<vmem>>, vector<16xi32>,
    tpu.vector_store %arg9[%swap3A_327, %swap3A_328], %mul3A_325 {strides = array<i32>} : memref<2x128xi32, #tpu.memory_space<vmem>>, vector<16xi32>,
    %get3A_330 = arith.constant 1 : i32
    %get3A_331 = arith.index_cast %get3A_330 : i32 to index
    %get3A_332 = arith.constant 96 : index
    %get3A_333 = tpu.vector_load %arg6[%get3A_331, %get3A_332] {strides = array<i32>} : memref<200x128xi32, #tpu.memory_space<vmem>>, vector<16xi32>,
    %shift_right_logical3A_334 = arith.constant 1 : i32
    %shift_right_logical3A_335 = vector.broadcast %shift_right_logical3A_334 : i32 to vector<16xi32>
    %shift_right_logical3A_336 = arith.shrui %get3A_333, %shift_right_logical3A_335 : vector<16xi32>
    %swap3A_337 = arith.constant 1 : i32
    %swap3A_338 = arith.index_cast %swap3A_337 : i32 to index
    %swap3A_339 = arith.constant 96 : index
    %swap3A_340 = tpu.vector_load %arg8[%swap3A_338, %swap3A_339] {strides = array<i32>} : memref<2x128xi32, #tpu.memory_space<vmem>>, vector<16xi32>,
    tpu.vector_store %arg8[%swap3A_338, %swap3A_339], %shift_right_logical3A_336 {strides = array<i32>} : memref<2x128xi32, #tpu.memory_space<vmem>>, vector<16xi32>,
    %and3A_341 = arith.constant 1 : i32
    %and3A_342 = vector.broadcast %and3A_341 : i32 to vector<16xi32>
    %and3A_343 = arith.andi %get3A_333, %and3A_342 : vector<16xi32>
    %mul3A_344 = arith.constant 64 : i32
    %mul3A_345 = vector.broadcast %mul3A_344 : i32 to vector<16xi32>
    %mul3A_346 = arith.muli %and3A_343, %mul3A_345 : vector<16xi32>
    %swap3A_347 = arith.constant 1 : i32
    %swap3A_348 = arith.index_cast %swap3A_347 : i32 to index
    %swap3A_349 = arith.constant 96 : index
    %swap3A_350 = tpu.vector_load %arg9[%swap3A_348, %swap3A_349] {strides = array<i32>} : memref<2x128xi32, #tpu.memory_space<vmem>>, vector<16xi32>,
    tpu.vector_store %arg9[%swap3A_348, %swap3A_349], %mul3A_346 {strides = array<i32>} : memref<2x128xi32, #tpu.memory_space<vmem>>, vector<16xi32>,
    %get3A_351 = arith.constant 1 : i32
    %get3A_352 = arith.index_cast %get3A_351 : i32 to index
    %get3A_353 = arith.constant 112 : index
    %get3A_354 = tpu.vector_load %arg6[%get3A_352, %get3A_353] {strides = array<i32>} : memref<200x128xi32, #tpu.memory_space<vmem>>, vector<16xi32>,
    %shift_right_logical3A_355 = arith.constant 1 : i32
    %shift_right_logical3A_356 = vector.broadcast %shift_right_logical3A_355 : i32 to vector<16xi32>
    %shift_right_logical3A_357 = arith.shrui %get3A_354, %shift_right_logical3A_356 : vector<16xi32>
    %swap3A_358 = arith.constant 1 : i32
    %swap3A_359 = arith.index_cast %swap3A_358 : i32 to index
    %swap3A_360 = arith.constant 112 : index
    %swap3A_361 = tpu.vector_load %arg8[%swap3A_359, %swap3A_360] {strides = array<i32>} : memref<2x128xi32, #tpu.memory_space<vmem>>, vector<16xi32>,
    tpu.vector_store %arg8[%swap3A_359, %swap3A_360], %shift_right_logical3A_357 {strides = array<i32>} : memref<2x128xi32, #tpu.memory_space<vmem>>, vector<16xi32>,
    %and3A_362 = arith.constant 1 : i32
    %and3A_363 = vector.broadcast %and3A_362 : i32 to vector<16xi32>
    %and3A_364 = arith.andi %get3A_354, %and3A_363 : vector<16xi32>
    %mul3A_365 = arith.constant 64 : i32
    %mul3A_366 = vector.broadcast %mul3A_365 : i32 to vector<16xi32>
    %mul3A_367 = arith.muli %and3A_364, %mul3A_366 : vector<16xi32>
    %swap3A_368 = arith.constant 1 : i32
    %swap3A_369 = arith.index_cast %swap3A_368 : i32 to index
    %swap3A_370 = arith.constant 112 : index
    %swap3A_371 = tpu.vector_load %arg9[%swap3A_369, %swap3A_370] {strides = array<i32>} : memref<2x128xi32, #tpu.memory_space<vmem>>, vector<16xi32>,
    tpu.vector_store %arg9[%swap3A_369, %swap3A_370], %mul3A_367 {strides = array<i32>} : memref<2x128xi32, #tpu.memory_space<vmem>>, vector<16xi32>,
    %dma_start3A_372 = arith.constant 1 : i32
    %dma_start3A_373 = arith.constant 0 : i32
    %dma_start3A_374 = tpu.memref_slice %arg8[%dma_start3A_372, %dma_start3A_373] : memref<2x128xi32, #tpu.memory_space<vmem>> -> memref<1x128xi32, #tpu.memory_space<vmem>>
    %dma_start3A_375 = tpu.memref_squeeze %dma_start3A_374 : memref<1x128xi32, #tpu.memory_space<vmem>> -> memref<128xi32, #tpu.memory_space<vmem>>
    %dma_start3A_376 = arith.constant 0 : i32
    %dma_start3A_377 = arith.constant 0 : i32
    %dma_start3A_378 = tpu.memref_slice %arg3[%dma_start3A_376, %dma_start3A_377] : memref<500032x128xf32, #tpu.memory_space<hbm>> -> memref<500032x128xf32, #tpu.memory_space<hbm>>
    tpu.enqueue_indirect_dma source(%dma_start3A_378 : memref<500032x128xf32, #tpu.memory_space<hbm>>) target(%arg11 : memref<128x128xf32, #tpu.memory_space<vmem>>) offsets(%dma_start3A_375 : memref<128xi32, #tpu.memory_space<vmem>>) semaphore(%arg15 : memref<!tpu.dma_semaphore, #tpu.memory_space<semaphore_mem>>)
    %scan3A = arith.constant 0 : i32
    %scan3A_379 = arith.constant 0 : i32
    %scan3A_380 = arith.constant 100 : i32
    %scan3A_381 = arith.addi %scan3A_379, %scan3A_380 : i32
    %scan3A_382 = arith.constant 1 : i32
    scf.for %scan3A_397 = %scan3A_379 to %scan3A_381 step %scan3A_382  : i32 {
      %mul3A_398 = arith.constant 2 : i32
      %mul3A_399 = arith.muli %mul3A_398, %scan3A_397 : i32
      %add3A_400 = arith.constant 0 : i32
      %add3A_401 = arith.addi %mul3A_399, %add3A_400 : i32
      %dma_wait3A_402 = arith.constant 0 : i32
      %dma_wait3A_403 = arith.constant 0 : i32
      %dma_wait3A_404 = tpu.memref_slice %arg3[%dma_wait3A_402, %dma_wait3A_403] : memref<500032x128xf32, #tpu.memory_space<hbm>> -> memref<128x128xf32, #tpu.memory_space<hbm>>
      %dma_wait3A_405 = arith.constant 0 : i32
      %dma_wait3A_406 = arith.constant 0 : i32
      %dma_wait3A_407 = tpu.memref_slice %arg3[%dma_wait3A_405, %dma_wait3A_406] : memref<500032x128xf32, #tpu.memory_space<hbm>> -> memref<128x128xf32, #tpu.memory_space<hbm>>
      tpu.wait_dma2 semaphore(%arg14 : memref<!tpu.dma_semaphore, #tpu.memory_space<semaphore_mem>>) src(%dma_wait3A_407 : memref<128x128xf32, #tpu.memory_space<hbm>>) dst(%arg10 : memref<128x128xf32, #tpu.memory_space<vmem>>)
      %ge3A = arith.constant 2 : i32
      %ge3A_408 = arith.cmpi sge, %add3A_401, %ge3A : i32
      %convert_element_type3A = arith.extui %ge3A_408 : i1 to i32
      %cond3A = arith.constant 0 : i32
      %cond3A_409 = arith.cmpi ne, %convert_element_type3A, %cond3A : i32
      scf.if %cond3A_409 {
        %dma_wait3A_526 = arith.constant 0 : i32
        %dma_wait3A_527 = arith.constant 0 : i32
        %dma_wait3A_528 = tpu.memref_slice %arg5[%dma_wait3A_526, %dma_wait3A_527, %mul3A_2] : memref<200x64x4096xf32, #tpu.memory_space<hbm>> -> memref<1x64x128xf32, #tpu.memory_space<hbm>>
        %dma_wait3A_529 = tpu.memref_squeeze %dma_wait3A_528 : memref<1x64x128xf32, #tpu.memory_space<hbm>> -> memref<64x128xf32, #tpu.memory_space<hbm>>
        %dma_wait3A_530 = arith.constant 0 : i32
        %dma_wait3A_531 = tpu.memref_slice %arg5[%dma_wait3A_526, %dma_wait3A_530, %mul3A_2] : memref<200x64x4096xf32, #tpu.memory_space<hbm>> -> memref<1x64x128xf32, #tpu.memory_space<hbm>>
        %dma_wait3A_532 = tpu.memref_squeeze %dma_wait3A_531 : memref<1x64x128xf32, #tpu.memory_space<hbm>> -> memref<64x128xf32, #tpu.memory_space<hbm>>
        tpu.wait_dma2 semaphore(%arg16 : memref<!tpu.dma_semaphore, #tpu.memory_space<semaphore_mem>>) src(%arg12 : memref<64x128xf32, #tpu.memory_space<vmem>>) dst(%dma_wait3A_532 : memref<64x128xf32, #tpu.memory_space<hbm>>)
      } else {
      }
      %get3A_410 = arith.constant 0 : i32
      %get3A_411 = arith.index_cast %get3A_410 : i32 to index
      %get3A_412 = arith.constant 0 : index
      %get3A_413 = tpu.vector_load %arg9[%get3A_411, %get3A_412] {strides = array<i32>} : memref<2x128xi32, #tpu.memory_space<vmem>>, vector<16xi32>,
      %get3A_414 = arith.constant 0 : i32
      %get3A_415 = arith.index_cast %get3A_414 : i32 to index
      %get3A_416 = arith.constant 16 : index
      %get3A_417 = tpu.vector_load %arg9[%get3A_415, %get3A_416] {strides = array<i32>} : memref<2x128xi32, #tpu.memory_space<vmem>>, vector<16xi32>,
      %get3A_418 = arith.constant 0 : i32
      %get3A_419 = arith.index_cast %get3A_418 : i32 to index
      %get3A_420 = arith.constant 32 : index
      %get3A_421 = tpu.vector_load %arg9[%get3A_419, %get3A_420] {strides = array<i32>} : memref<2x128xi32, #tpu.memory_space<vmem>>, vector<16xi32>,
      %get3A_422 = arith.constant 0 : i32
      %get3A_423 = arith.index_cast %get3A_422 : i32 to index
      %get3A_424 = arith.constant 48 : index
      %get3A_425 = tpu.vector_load %arg9[%get3A_423, %get3A_424] {strides = array<i32>} : memref<2x128xi32, #tpu.memory_space<vmem>>, vector<16xi32>,
      %get3A_426 = arith.constant 0 : i32
      %get3A_427 = arith.index_cast %get3A_426 : i32 to index
      %get3A_428 = arith.constant 64 : index
      %get3A_429 = tpu.vector_load %arg9[%get3A_427, %get3A_428] {strides = array<i32>} : memref<2x128xi32, #tpu.memory_space<vmem>>, vector<16xi32>,
      %get3A_430 = arith.constant 0 : i32
      %get3A_431 = arith.index_cast %get3A_430 : i32 to index
      %get3A_432 = arith.constant 80 : index
      %get3A_433 = tpu.vector_load %arg9[%get3A_431, %get3A_432] {strides = array<i32>} : memref<2x128xi32, #tpu.memory_space<vmem>>, vector<16xi32>,
      %get3A_434 = arith.constant 0 : i32
      %get3A_435 = arith.index_cast %get3A_434 : i32 to index
      %get3A_436 = arith.constant 96 : index
      %get3A_437 = tpu.vector_load %arg9[%get3A_435, %get3A_436] {strides = array<i32>} : memref<2x128xi32, #tpu.memory_space<vmem>>, vector<16xi32>,
      %get3A_438 = arith.constant 0 : i32
      %get3A_439 = arith.index_cast %get3A_438 : i32 to index
      %get3A_440 = arith.constant 112 : index
      %get3A_441 = tpu.vector_load %arg9[%get3A_439, %get3A_440] {strides = array<i32>} : memref<2x128xi32, #tpu.memory_space<vmem>>, vector<16xi32>,
      %scan3A_442 = arith.constant 0 : i32
      %scan3A_443 = arith.constant 0 : i32
      %scan3A_444 = arith.constant 64 : i32
      %scan3A_445 = arith.addi %scan3A_443, %scan3A_444 : i32
      %scan3A_446 = arith.constant 1 : i32
      scf.for %scan3A_526 = %scan3A_443 to %scan3A_445 step %scan3A_446  : i32 {
        %mul3A_527 = arith.constant 64 : i32
        %mul3A_528 = arith.muli %add3A_401, %mul3A_527 : i32
        %add3A_529 = arith.addi %mul3A_528, %scan3A_526 : i32
        %broadcast_in_dim3A = vector.broadcast %add3A_529 : i32 to vector<16xi32>
        %gather3A = tpu.vector_load_idx %arg7[%broadcast_in_dim3A] : memref<12800xf32, #tpu.memory_space<vmem>>[vector<16xi32>], vector<16xf32>,
        %broadcast_in_dim3A_530 = vector.broadcast %scan3A_526 : i32 to vector<16xi32>
        %add3A_531 = arith.addi %get3A_413, %broadcast_in_dim3A_530 : vector<16xi32>
        %gather3A_532 = tpu.vector_load_idx %arg10[%add3A_5, %add3A_531] : memref<128x128xf32, #tpu.memory_space<vmem>>[vector<16xi32>, vector<16xi32>], vector<16xf32>,
        %add3A_533 = arith.addf %gather3A_532, %gather3A : vector<16xf32>
        %swap3A_534 = arith.index_cast %scan3A_526 : i32 to index
        %swap3A_535 = arith.constant 0 : index
        %swap3A_536 = tpu.vector_load %arg12[%swap3A_534, %swap3A_535] {strides = array<i32>} : memref<64x128xf32, #tpu.memory_space<vmem>>, vector<16xf32>,
        tpu.vector_store %arg12[%swap3A_534, %swap3A_535], %add3A_533 {strides = array<i32>} : memref<64x128xf32, #tpu.memory_space<vmem>>, vector<16xf32>,
        %add3A_537 = arith.addi %get3A_417, %broadcast_in_dim3A_530 : vector<16xi32>
        %gather3A_538 = tpu.vector_load_idx %arg10[%add3A_9, %add3A_537] : memref<128x128xf32, #tpu.memory_space<vmem>>[vector<16xi32>, vector<16xi32>], vector<16xf32>,
        %add3A_539 = arith.addf %gather3A_538, %gather3A : vector<16xf32>
        %swap3A_540 = arith.index_cast %scan3A_526 : i32 to index
        %swap3A_541 = arith.constant 16 : index
        %swap3A_542 = tpu.vector_load %arg12[%swap3A_540, %swap3A_541] {strides = array<i32>} : memref<64x128xf32, #tpu.memory_space<vmem>>, vector<16xf32>,
        tpu.vector_store %arg12[%swap3A_540, %swap3A_541], %add3A_539 {strides = array<i32>} : memref<64x128xf32, #tpu.memory_space<vmem>>, vector<16xf32>,
        %add3A_543 = arith.addi %get3A_421, %broadcast_in_dim3A_530 : vector<16xi32>
        %gather3A_544 = tpu.vector_load_idx %arg10[%add3A_13, %add3A_543] : memref<128x128xf32, #tpu.memory_space<vmem>>[vector<16xi32>, vector<16xi32>], vector<16xf32>,
        %add3A_545 = arith.addf %gather3A_544, %gather3A : vector<16xf32>
        %swap3A_546 = arith.index_cast %scan3A_526 : i32 to index
        %swap3A_547 = arith.constant 32 : index
        %swap3A_548 = tpu.vector_load %arg12[%swap3A_546, %swap3A_547] {strides = array<i32>} : memref<64x128xf32, #tpu.memory_space<vmem>>, vector<16xf32>,
        tpu.vector_store %arg12[%swap3A_546, %swap3A_547], %add3A_545 {strides = array<i32>} : memref<64x128xf32, #tpu.memory_space<vmem>>, vector<16xf32>,
        %add3A_549 = arith.addi %get3A_425, %broadcast_in_dim3A_530 : vector<16xi32>
        %gather3A_550 = tpu.vector_load_idx %arg10[%add3A_17, %add3A_549] : memref<128x128xf32, #tpu.memory_space<vmem>>[vector<16xi32>, vector<16xi32>], vector<16xf32>,
        %add3A_551 = arith.addf %gather3A_550, %gather3A : vector<16xf32>
        %swap3A_552 = arith.index_cast %scan3A_526 : i32 to index
        %swap3A_553 = arith.constant 48 : index
        %swap3A_554 = tpu.vector_load %arg12[%swap3A_552, %swap3A_553] {strides = array<i32>} : memref<64x128xf32, #tpu.memory_space<vmem>>, vector<16xf32>,
        tpu.vector_store %arg12[%swap3A_552, %swap3A_553], %add3A_551 {strides = array<i32>} : memref<64x128xf32, #tpu.memory_space<vmem>>, vector<16xf32>,
        %add3A_555 = arith.addi %get3A_429, %broadcast_in_dim3A_530 : vector<16xi32>
        %gather3A_556 = tpu.vector_load_idx %arg10[%add3A_21, %add3A_555] : memref<128x128xf32, #tpu.memory_space<vmem>>[vector<16xi32>, vector<16xi32>], vector<16xf32>,
        %add3A_557 = arith.addf %gather3A_556, %gather3A : vector<16xf32>
        %swap3A_558 = arith.index_cast %scan3A_526 : i32 to index
        %swap3A_559 = arith.constant 64 : index
        %swap3A_560 = tpu.vector_load %arg12[%swap3A_558, %swap3A_559] {strides = array<i32>} : memref<64x128xf32, #tpu.memory_space<vmem>>, vector<16xf32>,
        tpu.vector_store %arg12[%swap3A_558, %swap3A_559], %add3A_557 {strides = array<i32>} : memref<64x128xf32, #tpu.memory_space<vmem>>, vector<16xf32>,
        %add3A_561 = arith.addi %get3A_433, %broadcast_in_dim3A_530 : vector<16xi32>
        %gather3A_562 = tpu.vector_load_idx %arg10[%add3A_25, %add3A_561] : memref<128x128xf32, #tpu.memory_space<vmem>>[vector<16xi32>, vector<16xi32>], vector<16xf32>,
        %add3A_563 = arith.addf %gather3A_562, %gather3A : vector<16xf32>
        %swap3A_564 = arith.index_cast %scan3A_526 : i32 to index
        %swap3A_565 = arith.constant 80 : index
        %swap3A_566 = tpu.vector_load %arg12[%swap3A_564, %swap3A_565] {strides = array<i32>} : memref<64x128xf32, #tpu.memory_space<vmem>>, vector<16xf32>,
        tpu.vector_store %arg12[%swap3A_564, %swap3A_565], %add3A_563 {strides = array<i32>} : memref<64x128xf32, #tpu.memory_space<vmem>>, vector<16xf32>,
        %add3A_567 = arith.addi %get3A_437, %broadcast_in_dim3A_530 : vector<16xi32>
        %gather3A_568 = tpu.vector_load_idx %arg10[%add3A_29, %add3A_567] : memref<128x128xf32, #tpu.memory_space<vmem>>[vector<16xi32>, vector<16xi32>], vector<16xf32>,
        %add3A_569 = arith.addf %gather3A_568, %gather3A : vector<16xf32>
        %swap3A_570 = arith.index_cast %scan3A_526 : i32 to index
        %swap3A_571 = arith.constant 96 : index
        %swap3A_572 = tpu.vector_load %arg12[%swap3A_570, %swap3A_571] {strides = array<i32>} : memref<64x128xf32, #tpu.memory_space<vmem>>, vector<16xf32>,
        tpu.vector_store %arg12[%swap3A_570, %swap3A_571], %add3A_569 {strides = array<i32>} : memref<64x128xf32, #tpu.memory_space<vmem>>, vector<16xf32>,
        %add3A_573 = arith.addi %get3A_441, %broadcast_in_dim3A_530 : vector<16xi32>
        %gather3A_574 = tpu.vector_load_idx %arg10[%add3A_33, %add3A_573] : memref<128x128xf32, #tpu.memory_space<vmem>>[vector<16xi32>, vector<16xi32>], vector<16xf32>,
        %add3A_575 = arith.addf %gather3A_574, %gather3A : vector<16xf32>
        %swap3A_576 = arith.index_cast %scan3A_526 : i32 to index
        %swap3A_577 = arith.constant 112 : index
        %swap3A_578 = tpu.vector_load %arg12[%swap3A_576, %swap3A_577] {strides = array<i32>} : memref<64x128xf32, #tpu.memory_space<vmem>>, vector<16xf32>,
        tpu.vector_store %arg12[%swap3A_576, %swap3A_577], %add3A_575 {strides = array<i32>} : memref<64x128xf32, #tpu.memory_space<vmem>>, vector<16xf32>,
      }
      %scan3A_447 = arith.constant 64 : i32
      %dma_start3A_448 = arith.constant 0 : i32
      %dma_start3A_449 = tpu.memref_slice %arg5[%add3A_401, %dma_start3A_448, %mul3A_2] : memref<200x64x4096xf32, #tpu.memory_space<hbm>> -> memref<1x64x128xf32, #tpu.memory_space<hbm>>
      %dma_start3A_450 = tpu.memref_squeeze %dma_start3A_449 : memref<1x64x128xf32, #tpu.memory_space<hbm>> -> memref<64x128xf32, #tpu.memory_space<hbm>>
      %dma_start3A_451 = arith.constant 0 : i32
      %dma_start3A_452 = tpu.memref_slice %arg5[%add3A_401, %dma_start3A_451, %mul3A_2] : memref<200x64x4096xf32, #tpu.memory_space<hbm>> -> memref<1x64x128xf32, #tpu.memory_space<hbm>>
      %dma_start3A_453 = tpu.memref_squeeze %dma_start3A_452 : memref<1x64x128xf32, #tpu.memory_space<hbm>> -> memref<64x128xf32, #tpu.memory_space<hbm>>
      tpu.enqueue_dma source(%arg12 : memref<64x128xf32, #tpu.memory_space<vmem>>) target(%dma_start3A_453 : memref<64x128xf32, #tpu.memory_space<hbm>>) target_semaphore(%arg16 : memref<!tpu.dma_semaphore, #tpu.memory_space<semaphore_mem>>)
      %add3A_454 = arith.constant 2 : i32
      %add3A_455 = arith.addi %add3A_401, %add3A_454 : i32
      %lt3A = arith.constant 200 : i32
      %lt3A_456 = arith.cmpi slt, %add3A_455, %lt3A : i32
      %convert_element_type3A_457 = arith.extui %lt3A_456 : i1 to i32
      %cond3A_458 = arith.constant 0 : i32
      %cond3A_459 = arith.cmpi ne, %convert_element_type3A_457, %cond3A_458 : i32
      scf.if %cond3A_459 {
        %add3A_526 = arith.constant 2 : i32
        %add3A_527 = arith.addi %add3A_401, %add3A_526 : i32
        %get3A_528 = arith.index_cast %add3A_527 : i32 to index
        %get3A_529 = arith.constant 0 : index
        %get3A_530 = tpu.vector_load %arg6[%get3A_528, %get3A_529] {strides = array<i32>} : memref<200x128xi32, #tpu.memory_space<vmem>>, vector<16xi32>,
        %shift_right_logical3A_531 = arith.constant 1 : i32
        %shift_right_logical3A_532 = vector.broadcast %shift_right_logical3A_531 : i32 to vector<16xi32>
        %shift_right_logical3A_533 = arith.shrui %get3A_530, %shift_right_logical3A_532 : vector<16xi32>
        %swap3A_534 = arith.constant 0 : i32
        %swap3A_535 = arith.index_cast %swap3A_534 : i32 to index
        %swap3A_536 = arith.constant 0 : index
        %swap3A_537 = tpu.vector_load %arg8[%swap3A_535, %swap3A_536] {strides = array<i32>} : memref<2x128xi32, #tpu.memory_space<vmem>>, vector<16xi32>,
        tpu.vector_store %arg8[%swap3A_535, %swap3A_536], %shift_right_logical3A_533 {strides = array<i32>} : memref<2x128xi32, #tpu.memory_space<vmem>>, vector<16xi32>,
        %and3A_538 = arith.constant 1 : i32
        %and3A_539 = vector.broadcast %and3A_538 : i32 to vector<16xi32>
        %and3A_540 = arith.andi %get3A_530, %and3A_539 : vector<16xi32>
        %mul3A_541 = arith.constant 64 : i32
        %mul3A_542 = vector.broadcast %mul3A_541 : i32 to vector<16xi32>
        %mul3A_543 = arith.muli %and3A_540, %mul3A_542 : vector<16xi32>
        %swap3A_544 = arith.constant 0 : i32
        %swap3A_545 = arith.index_cast %swap3A_544 : i32 to index
        %swap3A_546 = arith.constant 0 : index
        %swap3A_547 = tpu.vector_load %arg9[%swap3A_545, %swap3A_546] {strides = array<i32>} : memref<2x128xi32, #tpu.memory_space<vmem>>, vector<16xi32>,
        tpu.vector_store %arg9[%swap3A_545, %swap3A_546], %mul3A_543 {strides = array<i32>} : memref<2x128xi32, #tpu.memory_space<vmem>>, vector<16xi32>,
        %get3A_548 = arith.index_cast %add3A_527 : i32 to index
        %get3A_549 = arith.constant 16 : index
        %get3A_550 = tpu.vector_load %arg6[%get3A_548, %get3A_549] {strides = array<i32>} : memref<200x128xi32, #tpu.memory_space<vmem>>, vector<16xi32>,
        %shift_right_logical3A_551 = arith.constant 1 : i32
        %shift_right_logical3A_552 = vector.broadcast %shift_right_logical3A_551 : i32 to vector<16xi32>
        %shift_right_logical3A_553 = arith.shrui %get3A_550, %shift_right_logical3A_552 : vector<16xi32>
        %swap3A_554 = arith.constant 0 : i32
        %swap3A_555 = arith.index_cast %swap3A_554 : i32 to index
        %swap3A_556 = arith.constant 16 : index
        %swap3A_557 = tpu.vector_load %arg8[%swap3A_555, %swap3A_556] {strides = array<i32>} : memref<2x128xi32, #tpu.memory_space<vmem>>, vector<16xi32>,
        tpu.vector_store %arg8[%swap3A_555, %swap3A_556], %shift_right_logical3A_553 {strides = array<i32>} : memref<2x128xi32, #tpu.memory_space<vmem>>, vector<16xi32>,
        %and3A_558 = arith.constant 1 : i32
        %and3A_559 = vector.broadcast %and3A_558 : i32 to vector<16xi32>
        %and3A_560 = arith.andi %get3A_550, %and3A_559 : vector<16xi32>
        %mul3A_561 = arith.constant 64 : i32
        %mul3A_562 = vector.broadcast %mul3A_561 : i32 to vector<16xi32>
        %mul3A_563 = arith.muli %and3A_560, %mul3A_562 : vector<16xi32>
        %swap3A_564 = arith.constant 0 : i32
        %swap3A_565 = arith.index_cast %swap3A_564 : i32 to index
        %swap3A_566 = arith.constant 16 : index
        %swap3A_567 = tpu.vector_load %arg9[%swap3A_565, %swap3A_566] {strides = array<i32>} : memref<2x128xi32, #tpu.memory_space<vmem>>, vector<16xi32>,
        tpu.vector_store %arg9[%swap3A_565, %swap3A_566], %mul3A_563 {strides = array<i32>} : memref<2x128xi32, #tpu.memory_space<vmem>>, vector<16xi32>,
        %get3A_568 = arith.index_cast %add3A_527 : i32 to index
        %get3A_569 = arith.constant 32 : index
        %get3A_570 = tpu.vector_load %arg6[%get3A_568, %get3A_569] {strides = array<i32>} : memref<200x128xi32, #tpu.memory_space<vmem>>, vector<16xi32>,
        %shift_right_logical3A_571 = arith.constant 1 : i32
        %shift_right_logical3A_572 = vector.broadcast %shift_right_logical3A_571 : i32 to vector<16xi32>
        %shift_right_logical3A_573 = arith.shrui %get3A_570, %shift_right_logical3A_572 : vector<16xi32>
        %swap3A_574 = arith.constant 0 : i32
        %swap3A_575 = arith.index_cast %swap3A_574 : i32 to index
        %swap3A_576 = arith.constant 32 : index
        %swap3A_577 = tpu.vector_load %arg8[%swap3A_575, %swap3A_576] {strides = array<i32>} : memref<2x128xi32, #tpu.memory_space<vmem>>, vector<16xi32>,
        tpu.vector_store %arg8[%swap3A_575, %swap3A_576], %shift_right_logical3A_573 {strides = array<i32>} : memref<2x128xi32, #tpu.memory_space<vmem>>, vector<16xi32>,
        %and3A_578 = arith.constant 1 : i32
        %and3A_579 = vector.broadcast %and3A_578 : i32 to vector<16xi32>
        %and3A_580 = arith.andi %get3A_570, %and3A_579 : vector<16xi32>
        %mul3A_581 = arith.constant 64 : i32
        %mul3A_582 = vector.broadcast %mul3A_581 : i32 to vector<16xi32>
        %mul3A_583 = arith.muli %and3A_580, %mul3A_582 : vector<16xi32>
        %swap3A_584 = arith.constant 0 : i32
        %swap3A_585 = arith.index_cast %swap3A_584 : i32 to index
        %swap3A_586 = arith.constant 32 : index
        %swap3A_587 = tpu.vector_load %arg9[%swap3A_585, %swap3A_586] {strides = array<i32>} : memref<2x128xi32, #tpu.memory_space<vmem>>, vector<16xi32>,
        tpu.vector_store %arg9[%swap3A_585, %swap3A_586], %mul3A_583 {strides = array<i32>} : memref<2x128xi32, #tpu.memory_space<vmem>>, vector<16xi32>,
        %get3A_588 = arith.index_cast %add3A_527 : i32 to index
        %get3A_589 = arith.constant 48 : index
        %get3A_590 = tpu.vector_load %arg6[%get3A_588, %get3A_589] {strides = array<i32>} : memref<200x128xi32, #tpu.memory_space<vmem>>, vector<16xi32>,
        %shift_right_logical3A_591 = arith.constant 1 : i32
        %shift_right_logical3A_592 = vector.broadcast %shift_right_logical3A_591 : i32 to vector<16xi32>
        %shift_right_logical3A_593 = arith.shrui %get3A_590, %shift_right_logical3A_592 : vector<16xi32>
        %swap3A_594 = arith.constant 0 : i32
        %swap3A_595 = arith.index_cast %swap3A_594 : i32 to index
        %swap3A_596 = arith.constant 48 : index
        %swap3A_597 = tpu.vector_load %arg8[%swap3A_595, %swap3A_596] {strides = array<i32>} : memref<2x128xi32, #tpu.memory_space<vmem>>, vector<16xi32>,
        tpu.vector_store %arg8[%swap3A_595, %swap3A_596], %shift_right_logical3A_593 {strides = array<i32>} : memref<2x128xi32, #tpu.memory_space<vmem>>, vector<16xi32>,
        %and3A_598 = arith.constant 1 : i32
        %and3A_599 = vector.broadcast %and3A_598 : i32 to vector<16xi32>
        %and3A_600 = arith.andi %get3A_590, %and3A_599 : vector<16xi32>
        %mul3A_601 = arith.constant 64 : i32
        %mul3A_602 = vector.broadcast %mul3A_601 : i32 to vector<16xi32>
        %mul3A_603 = arith.muli %and3A_600, %mul3A_602 : vector<16xi32>
        %swap3A_604 = arith.constant 0 : i32
        %swap3A_605 = arith.index_cast %swap3A_604 : i32 to index
        %swap3A_606 = arith.constant 48 : index
        %swap3A_607 = tpu.vector_load %arg9[%swap3A_605, %swap3A_606] {strides = array<i32>} : memref<2x128xi32, #tpu.memory_space<vmem>>, vector<16xi32>,
        tpu.vector_store %arg9[%swap3A_605, %swap3A_606], %mul3A_603 {strides = array<i32>} : memref<2x128xi32, #tpu.memory_space<vmem>>, vector<16xi32>,
        %get3A_608 = arith.index_cast %add3A_527 : i32 to index
        %get3A_609 = arith.constant 64 : index
        %get3A_610 = tpu.vector_load %arg6[%get3A_608, %get3A_609] {strides = array<i32>} : memref<200x128xi32, #tpu.memory_space<vmem>>, vector<16xi32>,
        %shift_right_logical3A_611 = arith.constant 1 : i32
        %shift_right_logical3A_612 = vector.broadcast %shift_right_logical3A_611 : i32 to vector<16xi32>
        %shift_right_logical3A_613 = arith.shrui %get3A_610, %shift_right_logical3A_612 : vector<16xi32>
        %swap3A_614 = arith.constant 0 : i32
        %swap3A_615 = arith.index_cast %swap3A_614 : i32 to index
        %swap3A_616 = arith.constant 64 : index
        %swap3A_617 = tpu.vector_load %arg8[%swap3A_615, %swap3A_616] {strides = array<i32>} : memref<2x128xi32, #tpu.memory_space<vmem>>, vector<16xi32>,
        tpu.vector_store %arg8[%swap3A_615, %swap3A_616], %shift_right_logical3A_613 {strides = array<i32>} : memref<2x128xi32, #tpu.memory_space<vmem>>, vector<16xi32>,
        %and3A_618 = arith.constant 1 : i32
        %and3A_619 = vector.broadcast %and3A_618 : i32 to vector<16xi32>
        %and3A_620 = arith.andi %get3A_610, %and3A_619 : vector<16xi32>
        %mul3A_621 = arith.constant 64 : i32
        %mul3A_622 = vector.broadcast %mul3A_621 : i32 to vector<16xi32>
        %mul3A_623 = arith.muli %and3A_620, %mul3A_622 : vector<16xi32>
        %swap3A_624 = arith.constant 0 : i32
        %swap3A_625 = arith.index_cast %swap3A_624 : i32 to index
        %swap3A_626 = arith.constant 64 : index
        %swap3A_627 = tpu.vector_load %arg9[%swap3A_625, %swap3A_626] {strides = array<i32>} : memref<2x128xi32, #tpu.memory_space<vmem>>, vector<16xi32>,
        tpu.vector_store %arg9[%swap3A_625, %swap3A_626], %mul3A_623 {strides = array<i32>} : memref<2x128xi32, #tpu.memory_space<vmem>>, vector<16xi32>,
        %get3A_628 = arith.index_cast %add3A_527 : i32 to index
        %get3A_629 = arith.constant 80 : index
        %get3A_630 = tpu.vector_load %arg6[%get3A_628, %get3A_629] {strides = array<i32>} : memref<200x128xi32, #tpu.memory_space<vmem>>, vector<16xi32>,
        %shift_right_logical3A_631 = arith.constant 1 : i32
        %shift_right_logical3A_632 = vector.broadcast %shift_right_logical3A_631 : i32 to vector<16xi32>
        %shift_right_logical3A_633 = arith.shrui %get3A_630, %shift_right_logical3A_632 : vector<16xi32>
        %swap3A_634 = arith.constant 0 : i32
        %swap3A_635 = arith.index_cast %swap3A_634 : i32 to index
        %swap3A_636 = arith.constant 80 : index
        %swap3A_637 = tpu.vector_load %arg8[%swap3A_635, %swap3A_636] {strides = array<i32>} : memref<2x128xi32, #tpu.memory_space<vmem>>, vector<16xi32>,
        tpu.vector_store %arg8[%swap3A_635, %swap3A_636], %shift_right_logical3A_633 {strides = array<i32>} : memref<2x128xi32, #tpu.memory_space<vmem>>, vector<16xi32>,
        %and3A_638 = arith.constant 1 : i32
        %and3A_639 = vector.broadcast %and3A_638 : i32 to vector<16xi32>
        %and3A_640 = arith.andi %get3A_630, %and3A_639 : vector<16xi32>
        %mul3A_641 = arith.constant 64 : i32
        %mul3A_642 = vector.broadcast %mul3A_641 : i32 to vector<16xi32>
        %mul3A_643 = arith.muli %and3A_640, %mul3A_642 : vector<16xi32>
        %swap3A_644 = arith.constant 0 : i32
        %swap3A_645 = arith.index_cast %swap3A_644 : i32 to index
        %swap3A_646 = arith.constant 80 : index
        %swap3A_647 = tpu.vector_load %arg9[%swap3A_645, %swap3A_646] {strides = array<i32>} : memref<2x128xi32, #tpu.memory_space<vmem>>, vector<16xi32>,
        tpu.vector_store %arg9[%swap3A_645, %swap3A_646], %mul3A_643 {strides = array<i32>} : memref<2x128xi32, #tpu.memory_space<vmem>>, vector<16xi32>,
        %get3A_648 = arith.index_cast %add3A_527 : i32 to index
        %get3A_649 = arith.constant 96 : index
        %get3A_650 = tpu.vector_load %arg6[%get3A_648, %get3A_649] {strides = array<i32>} : memref<200x128xi32, #tpu.memory_space<vmem>>, vector<16xi32>,
        %shift_right_logical3A_651 = arith.constant 1 : i32
        %shift_right_logical3A_652 = vector.broadcast %shift_right_logical3A_651 : i32 to vector<16xi32>
        %shift_right_logical3A_653 = arith.shrui %get3A_650, %shift_right_logical3A_652 : vector<16xi32>
        %swap3A_654 = arith.constant 0 : i32
        %swap3A_655 = arith.index_cast %swap3A_654 : i32 to index
        %swap3A_656 = arith.constant 96 : index
        %swap3A_657 = tpu.vector_load %arg8[%swap3A_655, %swap3A_656] {strides = array<i32>} : memref<2x128xi32, #tpu.memory_space<vmem>>, vector<16xi32>,
        tpu.vector_store %arg8[%swap3A_655, %swap3A_656], %shift_right_logical3A_653 {strides = array<i32>} : memref<2x128xi32, #tpu.memory_space<vmem>>, vector<16xi32>,
        %and3A_658 = arith.constant 1 : i32
        %and3A_659 = vector.broadcast %and3A_658 : i32 to vector<16xi32>
        %and3A_660 = arith.andi %get3A_650, %and3A_659 : vector<16xi32>
        %mul3A_661 = arith.constant 64 : i32
        %mul3A_662 = vector.broadcast %mul3A_661 : i32 to vector<16xi32>
        %mul3A_663 = arith.muli %and3A_660, %mul3A_662 : vector<16xi32>
        %swap3A_664 = arith.constant 0 : i32
        %swap3A_665 = arith.index_cast %swap3A_664 : i32 to index
        %swap3A_666 = arith.constant 96 : index
        %swap3A_667 = tpu.vector_load %arg9[%swap3A_665, %swap3A_666] {strides = array<i32>} : memref<2x128xi32, #tpu.memory_space<vmem>>, vector<16xi32>,
        tpu.vector_store %arg9[%swap3A_665, %swap3A_666], %mul3A_663 {strides = array<i32>} : memref<2x128xi32, #tpu.memory_space<vmem>>, vector<16xi32>,
        %get3A_668 = arith.index_cast %add3A_527 : i32 to index
        %get3A_669 = arith.constant 112 : index
        %get3A_670 = tpu.vector_load %arg6[%get3A_668, %get3A_669] {strides = array<i32>} : memref<200x128xi32, #tpu.memory_space<vmem>>, vector<16xi32>,
        %shift_right_logical3A_671 = arith.constant 1 : i32
        %shift_right_logical3A_672 = vector.broadcast %shift_right_logical3A_671 : i32 to vector<16xi32>
        %shift_right_logical3A_673 = arith.shrui %get3A_670, %shift_right_logical3A_672 : vector<16xi32>
        %swap3A_674 = arith.constant 0 : i32
        %swap3A_675 = arith.index_cast %swap3A_674 : i32 to index
        %swap3A_676 = arith.constant 112 : index
        %swap3A_677 = tpu.vector_load %arg8[%swap3A_675, %swap3A_676] {strides = array<i32>} : memref<2x128xi32, #tpu.memory_space<vmem>>, vector<16xi32>,
        tpu.vector_store %arg8[%swap3A_675, %swap3A_676], %shift_right_logical3A_673 {strides = array<i32>} : memref<2x128xi32, #tpu.memory_space<vmem>>, vector<16xi32>,
        %and3A_678 = arith.constant 1 : i32
        %and3A_679 = vector.broadcast %and3A_678 : i32 to vector<16xi32>
        %and3A_680 = arith.andi %get3A_670, %and3A_679 : vector<16xi32>
        %mul3A_681 = arith.constant 64 : i32
        %mul3A_682 = vector.broadcast %mul3A_681 : i32 to vector<16xi32>
        %mul3A_683 = arith.muli %and3A_680, %mul3A_682 : vector<16xi32>
        %swap3A_684 = arith.constant 0 : i32
        %swap3A_685 = arith.index_cast %swap3A_684 : i32 to index
        %swap3A_686 = arith.constant 112 : index
        %swap3A_687 = tpu.vector_load %arg9[%swap3A_685, %swap3A_686] {strides = array<i32>} : memref<2x128xi32, #tpu.memory_space<vmem>>, vector<16xi32>,
        tpu.vector_store %arg9[%swap3A_685, %swap3A_686], %mul3A_683 {strides = array<i32>} : memref<2x128xi32, #tpu.memory_space<vmem>>, vector<16xi32>,
        %dma_start3A_688 = arith.constant 0 : i32
        %dma_start3A_689 = arith.constant 0 : i32
        %dma_start3A_690 = tpu.memref_slice %arg8[%dma_start3A_688, %dma_start3A_689] : memref<2x128xi32, #tpu.memory_space<vmem>> -> memref<1x128xi32, #tpu.memory_space<vmem>>
        %dma_start3A_691 = tpu.memref_squeeze %dma_start3A_690 : memref<1x128xi32, #tpu.memory_space<vmem>> -> memref<128xi32, #tpu.memory_space<vmem>>
        %dma_start3A_692 = arith.constant 0 : i32
        %dma_start3A_693 = arith.constant 0 : i32
        %dma_start3A_694 = tpu.memref_slice %arg3[%dma_start3A_692, %dma_start3A_693] : memref<500032x128xf32, #tpu.memory_space<hbm>> -> memref<500032x128xf32, #tpu.memory_space<hbm>>
        tpu.enqueue_indirect_dma source(%dma_start3A_694 : memref<500032x128xf32, #tpu.memory_space<hbm>>) target(%arg10 : memref<128x128xf32, #tpu.memory_space<vmem>>) offsets(%dma_start3A_691 : memref<128xi32, #tpu.memory_space<vmem>>) semaphore(%arg14 : memref<!tpu.dma_semaphore, #tpu.memory_space<semaphore_mem>>)
      } else {
      }
      %mul3A_460 = arith.constant 2 : i32
      %mul3A_461 = arith.muli %mul3A_460, %scan3A_397 : i32
      %add3A_462 = arith.constant 1 : i32
      %add3A_463 = arith.addi %mul3A_461, %add3A_462 : i32
      %dma_wait3A_464 = arith.constant 0 : i32
      %dma_wait3A_465 = arith.constant 0 : i32
      %dma_wait3A_466 = tpu.memref_slice %arg3[%dma_wait3A_464, %dma_wait3A_465] : memref<500032x128xf32, #tpu.memory_space<hbm>> -> memref<128x128xf32, #tpu.memory_space<hbm>>
      %dma_wait3A_467 = arith.constant 0 : i32
      %dma_wait3A_468 = arith.constant 0 : i32
      %dma_wait3A_469 = tpu.memref_slice %arg3[%dma_wait3A_467, %dma_wait3A_468] : memref<500032x128xf32, #tpu.memory_space<hbm>> -> memref<128x128xf32, #tpu.memory_space<hbm>>
      tpu.wait_dma2 semaphore(%arg15 : memref<!tpu.dma_semaphore, #tpu.memory_space<semaphore_mem>>) src(%dma_wait3A_469 : memref<128x128xf32, #tpu.memory_space<hbm>>) dst(%arg11 : memref<128x128xf32, #tpu.memory_space<vmem>>)
      %ge3A_470 = arith.constant 2 : i32
      %ge3A_471 = arith.cmpi sge, %add3A_463, %ge3A_470 : i32
      %convert_element_type3A_472 = arith.extui %ge3A_471 : i1 to i32
      %cond3A_473 = arith.constant 0 : i32
      %cond3A_474 = arith.cmpi ne, %convert_element_type3A_472, %cond3A_473 : i32
      scf.if %cond3A_474 {
        %dma_wait3A_526 = arith.constant 0 : i32
        %dma_wait3A_527 = arith.constant 0 : i32
        %dma_wait3A_528 = tpu.memref_slice %arg5[%dma_wait3A_526, %dma_wait3A_527, %mul3A_2] : memref<200x64x4096xf32, #tpu.memory_space<hbm>> -> memref<1x64x128xf32, #tpu.memory_space<hbm>>
        %dma_wait3A_529 = tpu.memref_squeeze %dma_wait3A_528 : memref<1x64x128xf32, #tpu.memory_space<hbm>> -> memref<64x128xf32, #tpu.memory_space<hbm>>
        %dma_wait3A_530 = arith.constant 0 : i32
        %dma_wait3A_531 = tpu.memref_slice %arg5[%dma_wait3A_526, %dma_wait3A_530, %mul3A_2] : memref<200x64x4096xf32, #tpu.memory_space<hbm>> -> memref<1x64x128xf32, #tpu.memory_space<hbm>>
        %dma_wait3A_532 = tpu.memref_squeeze %dma_wait3A_531 : memref<1x64x128xf32, #tpu.memory_space<hbm>> -> memref<64x128xf32, #tpu.memory_space<hbm>>
        tpu.wait_dma2 semaphore(%arg17 : memref<!tpu.dma_semaphore, #tpu.memory_space<semaphore_mem>>) src(%arg13 : memref<64x128xf32, #tpu.memory_space<vmem>>) dst(%dma_wait3A_532 : memref<64x128xf32, #tpu.memory_space<hbm>>)
      } else {
      }
      %get3A_475 = arith.constant 1 : i32
      %get3A_476 = arith.index_cast %get3A_475 : i32 to index
      %get3A_477 = arith.constant 0 : index
      %get3A_478 = tpu.vector_load %arg9[%get3A_476, %get3A_477] {strides = array<i32>} : memref<2x128xi32, #tpu.memory_space<vmem>>, vector<16xi32>,
      %get3A_479 = arith.constant 1 : i32
      %get3A_480 = arith.index_cast %get3A_479 : i32 to index
      %get3A_481 = arith.constant 16 : index
      %get3A_482 = tpu.vector_load %arg9[%get3A_480, %get3A_481] {strides = array<i32>} : memref<2x128xi32, #tpu.memory_space<vmem>>, vector<16xi32>,
      %get3A_483 = arith.constant 1 : i32
      %get3A_484 = arith.index_cast %get3A_483 : i32 to index
      %get3A_485 = arith.constant 32 : index
      %get3A_486 = tpu.vector_load %arg9[%get3A_484, %get3A_485] {strides = array<i32>} : memref<2x128xi32, #tpu.memory_space<vmem>>, vector<16xi32>,
      %get3A_487 = arith.constant 1 : i32
      %get3A_488 = arith.index_cast %get3A_487 : i32 to index
      %get3A_489 = arith.constant 48 : index
      %get3A_490 = tpu.vector_load %arg9[%get3A_488, %get3A_489] {strides = array<i32>} : memref<2x128xi32, #tpu.memory_space<vmem>>, vector<16xi32>,
      %get3A_491 = arith.constant 1 : i32
      %get3A_492 = arith.index_cast %get3A_491 : i32 to index
      %get3A_493 = arith.constant 64 : index
      %get3A_494 = tpu.vector_load %arg9[%get3A_492, %get3A_493] {strides = array<i32>} : memref<2x128xi32, #tpu.memory_space<vmem>>, vector<16xi32>,
      %get3A_495 = arith.constant 1 : i32
      %get3A_496 = arith.index_cast %get3A_495 : i32 to index
      %get3A_497 = arith.constant 80 : index
      %get3A_498 = tpu.vector_load %arg9[%get3A_496, %get3A_497] {strides = array<i32>} : memref<2x128xi32, #tpu.memory_space<vmem>>, vector<16xi32>,
      %get3A_499 = arith.constant 1 : i32
      %get3A_500 = arith.index_cast %get3A_499 : i32 to index
      %get3A_501 = arith.constant 96 : index
      %get3A_502 = tpu.vector_load %arg9[%get3A_500, %get3A_501] {strides = array<i32>} : memref<2x128xi32, #tpu.memory_space<vmem>>, vector<16xi32>,
      %get3A_503 = arith.constant 1 : i32
      %get3A_504 = arith.index_cast %get3A_503 : i32 to index
      %get3A_505 = arith.constant 112 : index
      %get3A_506 = tpu.vector_load %arg9[%get3A_504, %get3A_505] {strides = array<i32>} : memref<2x128xi32, #tpu.memory_space<vmem>>, vector<16xi32>,
      %scan3A_507 = arith.constant 0 : i32
      %scan3A_508 = arith.constant 0 : i32
      %scan3A_509 = arith.constant 64 : i32
      %scan3A_510 = arith.addi %scan3A_508, %scan3A_509 : i32
      %scan3A_511 = arith.constant 1 : i32
      scf.for %scan3A_526 = %scan3A_508 to %scan3A_510 step %scan3A_511  : i32 {
        %mul3A_527 = arith.constant 64 : i32
        %mul3A_528 = arith.muli %add3A_463, %mul3A_527 : i32
        %add3A_529 = arith.addi %mul3A_528, %scan3A_526 : i32
        %broadcast_in_dim3A = vector.broadcast %add3A_529 : i32 to vector<16xi32>
        %gather3A = tpu.vector_load_idx %arg7[%broadcast_in_dim3A] : memref<12800xf32, #tpu.memory_space<vmem>>[vector<16xi32>], vector<16xf32>,
        %broadcast_in_dim3A_530 = vector.broadcast %scan3A_526 : i32 to vector<16xi32>
        %add3A_531 = arith.addi %get3A_478, %broadcast_in_dim3A_530 : vector<16xi32>
        %gather3A_532 = tpu.vector_load_idx %arg11[%add3A_5, %add3A_531] : memref<128x128xf32, #tpu.memory_space<vmem>>[vector<16xi32>, vector<16xi32>], vector<16xf32>,
        %add3A_533 = arith.addf %gather3A_532, %gather3A : vector<16xf32>
        %swap3A_534 = arith.index_cast %scan3A_526 : i32 to index
        %swap3A_535 = arith.constant 0 : index
        %swap3A_536 = tpu.vector_load %arg13[%swap3A_534, %swap3A_535] {strides = array<i32>} : memref<64x128xf32, #tpu.memory_space<vmem>>, vector<16xf32>,
        tpu.vector_store %arg13[%swap3A_534, %swap3A_535], %add3A_533 {strides = array<i32>} : memref<64x128xf32, #tpu.memory_space<vmem>>, vector<16xf32>,
        %add3A_537 = arith.addi %get3A_482, %broadcast_in_dim3A_530 : vector<16xi32>
        %gather3A_538 = tpu.vector_load_idx %arg11[%add3A_9, %add3A_537] : memref<128x128xf32, #tpu.memory_space<vmem>>[vector<16xi32>, vector<16xi32>], vector<16xf32>,
        %add3A_539 = arith.addf %gather3A_538, %gather3A : vector<16xf32>
        %swap3A_540 = arith.index_cast %scan3A_526 : i32 to index
        %swap3A_541 = arith.constant 16 : index
        %swap3A_542 = tpu.vector_load %arg13[%swap3A_540, %swap3A_541] {strides = array<i32>} : memref<64x128xf32, #tpu.memory_space<vmem>>, vector<16xf32>,
        tpu.vector_store %arg13[%swap3A_540, %swap3A_541], %add3A_539 {strides = array<i32>} : memref<64x128xf32, #tpu.memory_space<vmem>>, vector<16xf32>,
        %add3A_543 = arith.addi %get3A_486, %broadcast_in_dim3A_530 : vector<16xi32>
        %gather3A_544 = tpu.vector_load_idx %arg11[%add3A_13, %add3A_543] : memref<128x128xf32, #tpu.memory_space<vmem>>[vector<16xi32>, vector<16xi32>], vector<16xf32>,
        %add3A_545 = arith.addf %gather3A_544, %gather3A : vector<16xf32>
        %swap3A_546 = arith.index_cast %scan3A_526 : i32 to index
        %swap3A_547 = arith.constant 32 : index
        %swap3A_548 = tpu.vector_load %arg13[%swap3A_546, %swap3A_547] {strides = array<i32>} : memref<64x128xf32, #tpu.memory_space<vmem>>, vector<16xf32>,
        tpu.vector_store %arg13[%swap3A_546, %swap3A_547], %add3A_545 {strides = array<i32>} : memref<64x128xf32, #tpu.memory_space<vmem>>, vector<16xf32>,
        %add3A_549 = arith.addi %get3A_490, %broadcast_in_dim3A_530 : vector<16xi32>
        %gather3A_550 = tpu.vector_load_idx %arg11[%add3A_17, %add3A_549] : memref<128x128xf32, #tpu.memory_space<vmem>>[vector<16xi32>, vector<16xi32>], vector<16xf32>,
        %add3A_551 = arith.addf %gather3A_550, %gather3A : vector<16xf32>
        %swap3A_552 = arith.index_cast %scan3A_526 : i32 to index
        %swap3A_553 = arith.constant 48 : index
        %swap3A_554 = tpu.vector_load %arg13[%swap3A_552, %swap3A_553] {strides = array<i32>} : memref<64x128xf32, #tpu.memory_space<vmem>>, vector<16xf32>,
        tpu.vector_store %arg13[%swap3A_552, %swap3A_553], %add3A_551 {strides = array<i32>} : memref<64x128xf32, #tpu.memory_space<vmem>>, vector<16xf32>,
        %add3A_555 = arith.addi %get3A_494, %broadcast_in_dim3A_530 : vector<16xi32>
        %gather3A_556 = tpu.vector_load_idx %arg11[%add3A_21, %add3A_555] : memref<128x128xf32, #tpu.memory_space<vmem>>[vector<16xi32>, vector<16xi32>], vector<16xf32>,
        %add3A_557 = arith.addf %gather3A_556, %gather3A : vector<16xf32>
        %swap3A_558 = arith.index_cast %scan3A_526 : i32 to index
        %swap3A_559 = arith.constant 64 : index
        %swap3A_560 = tpu.vector_load %arg13[%swap3A_558, %swap3A_559] {strides = array<i32>} : memref<64x128xf32, #tpu.memory_space<vmem>>, vector<16xf32>,
        tpu.vector_store %arg13[%swap3A_558, %swap3A_559], %add3A_557 {strides = array<i32>} : memref<64x128xf32, #tpu.memory_space<vmem>>, vector<16xf32>,
        %add3A_561 = arith.addi %get3A_498, %broadcast_in_dim3A_530 : vector<16xi32>
        %gather3A_562 = tpu.vector_load_idx %arg11[%add3A_25, %add3A_561] : memref<128x128xf32, #tpu.memory_space<vmem>>[vector<16xi32>, vector<16xi32>], vector<16xf32>,
        %add3A_563 = arith.addf %gather3A_562, %gather3A : vector<16xf32>
        %swap3A_564 = arith.index_cast %scan3A_526 : i32 to index
        %swap3A_565 = arith.constant 80 : index
        %swap3A_566 = tpu.vector_load %arg13[%swap3A_564, %swap3A_565] {strides = array<i32>} : memref<64x128xf32, #tpu.memory_space<vmem>>, vector<16xf32>,
        tpu.vector_store %arg13[%swap3A_564, %swap3A_565], %add3A_563 {strides = array<i32>} : memref<64x128xf32, #tpu.memory_space<vmem>>, vector<16xf32>,
        %add3A_567 = arith.addi %get3A_502, %broadcast_in_dim3A_530 : vector<16xi32>
        %gather3A_568 = tpu.vector_load_idx %arg11[%add3A_29, %add3A_567] : memref<128x128xf32, #tpu.memory_space<vmem>>[vector<16xi32>, vector<16xi32>], vector<16xf32>,
        %add3A_569 = arith.addf %gather3A_568, %gather3A : vector<16xf32>
        %swap3A_570 = arith.index_cast %scan3A_526 : i32 to index
        %swap3A_571 = arith.constant 96 : index
        %swap3A_572 = tpu.vector_load %arg13[%swap3A_570, %swap3A_571] {strides = array<i32>} : memref<64x128xf32, #tpu.memory_space<vmem>>, vector<16xf32>,
        tpu.vector_store %arg13[%swap3A_570, %swap3A_571], %add3A_569 {strides = array<i32>} : memref<64x128xf32, #tpu.memory_space<vmem>>, vector<16xf32>,
        %add3A_573 = arith.addi %get3A_506, %broadcast_in_dim3A_530 : vector<16xi32>
        %gather3A_574 = tpu.vector_load_idx %arg11[%add3A_33, %add3A_573] : memref<128x128xf32, #tpu.memory_space<vmem>>[vector<16xi32>, vector<16xi32>], vector<16xf32>,
        %add3A_575 = arith.addf %gather3A_574, %gather3A : vector<16xf32>
        %swap3A_576 = arith.index_cast %scan3A_526 : i32 to index
        %swap3A_577 = arith.constant 112 : index
        %swap3A_578 = tpu.vector_load %arg13[%swap3A_576, %swap3A_577] {strides = array<i32>} : memref<64x128xf32, #tpu.memory_space<vmem>>, vector<16xf32>,
        tpu.vector_store %arg13[%swap3A_576, %swap3A_577], %add3A_575 {strides = array<i32>} : memref<64x128xf32, #tpu.memory_space<vmem>>, vector<16xf32>,
      }
      %scan3A_512 = arith.constant 64 : i32
      %dma_start3A_513 = arith.constant 0 : i32
      %dma_start3A_514 = tpu.memref_slice %arg5[%add3A_463, %dma_start3A_513, %mul3A_2] : memref<200x64x4096xf32, #tpu.memory_space<hbm>> -> memref<1x64x128xf32, #tpu.memory_space<hbm>>
      %dma_start3A_515 = tpu.memref_squeeze %dma_start3A_514 : memref<1x64x128xf32, #tpu.memory_space<hbm>> -> memref<64x128xf32, #tpu.memory_space<hbm>>
      %dma_start3A_516 = arith.constant 0 : i32
      %dma_start3A_517 = tpu.memref_slice %arg5[%add3A_463, %dma_start3A_516, %mul3A_2] : memref<200x64x4096xf32, #tpu.memory_space<hbm>> -> memref<1x64x128xf32, #tpu.memory_space<hbm>>
      %dma_start3A_518 = tpu.memref_squeeze %dma_start3A_517 : memref<1x64x128xf32, #tpu.memory_space<hbm>> -> memref<64x128xf32, #tpu.memory_space<hbm>>
      tpu.enqueue_dma source(%arg13 : memref<64x128xf32, #tpu.memory_space<vmem>>) target(%dma_start3A_518 : memref<64x128xf32, #tpu.memory_space<hbm>>) target_semaphore(%arg17 : memref<!tpu.dma_semaphore, #tpu.memory_space<semaphore_mem>>)
      %add3A_519 = arith.constant 2 : i32
      %add3A_520 = arith.addi %add3A_463, %add3A_519 : i32
      %lt3A_521 = arith.constant 200 : i32
      %lt3A_522 = arith.cmpi slt, %add3A_520, %lt3A_521 : i32
      %convert_element_type3A_523 = arith.extui %lt3A_522 : i1 to i32
      %cond3A_524 = arith.constant 0 : i32
      %cond3A_525 = arith.cmpi ne, %convert_element_type3A_523, %cond3A_524 : i32
      scf.if %cond3A_525 {
        %add3A_526 = arith.constant 2 : i32
        %add3A_527 = arith.addi %add3A_463, %add3A_526 : i32
        %get3A_528 = arith.index_cast %add3A_527 : i32 to index
        %get3A_529 = arith.constant 0 : index
        %get3A_530 = tpu.vector_load %arg6[%get3A_528, %get3A_529] {strides = array<i32>} : memref<200x128xi32, #tpu.memory_space<vmem>>, vector<16xi32>,
        %shift_right_logical3A_531 = arith.constant 1 : i32
        %shift_right_logical3A_532 = vector.broadcast %shift_right_logical3A_531 : i32 to vector<16xi32>
        %shift_right_logical3A_533 = arith.shrui %get3A_530, %shift_right_logical3A_532 : vector<16xi32>
        %swap3A_534 = arith.constant 1 : i32
        %swap3A_535 = arith.index_cast %swap3A_534 : i32 to index
        %swap3A_536 = arith.constant 0 : index
        %swap3A_537 = tpu.vector_load %arg8[%swap3A_535, %swap3A_536] {strides = array<i32>} : memref<2x128xi32, #tpu.memory_space<vmem>>, vector<16xi32>,
        tpu.vector_store %arg8[%swap3A_535, %swap3A_536], %shift_right_logical3A_533 {strides = array<i32>} : memref<2x128xi32, #tpu.memory_space<vmem>>, vector<16xi32>,
        %and3A_538 = arith.constant 1 : i32
        %and3A_539 = vector.broadcast %and3A_538 : i32 to vector<16xi32>
        %and3A_540 = arith.andi %get3A_530, %and3A_539 : vector<16xi32>
        %mul3A_541 = arith.constant 64 : i32
        %mul3A_542 = vector.broadcast %mul3A_541 : i32 to vector<16xi32>
        %mul3A_543 = arith.muli %and3A_540, %mul3A_542 : vector<16xi32>
        %swap3A_544 = arith.constant 1 : i32
        %swap3A_545 = arith.index_cast %swap3A_544 : i32 to index
        %swap3A_546 = arith.constant 0 : index
        %swap3A_547 = tpu.vector_load %arg9[%swap3A_545, %swap3A_546] {strides = array<i32>} : memref<2x128xi32, #tpu.memory_space<vmem>>, vector<16xi32>,
        tpu.vector_store %arg9[%swap3A_545, %swap3A_546], %mul3A_543 {strides = array<i32>} : memref<2x128xi32, #tpu.memory_space<vmem>>, vector<16xi32>,
        %get3A_548 = arith.index_cast %add3A_527 : i32 to index
        %get3A_549 = arith.constant 16 : index
        %get3A_550 = tpu.vector_load %arg6[%get3A_548, %get3A_549] {strides = array<i32>} : memref<200x128xi32, #tpu.memory_space<vmem>>, vector<16xi32>,
        %shift_right_logical3A_551 = arith.constant 1 : i32
        %shift_right_logical3A_552 = vector.broadcast %shift_right_logical3A_551 : i32 to vector<16xi32>
        %shift_right_logical3A_553 = arith.shrui %get3A_550, %shift_right_logical3A_552 : vector<16xi32>
        %swap3A_554 = arith.constant 1 : i32
        %swap3A_555 = arith.index_cast %swap3A_554 : i32 to index
        %swap3A_556 = arith.constant 16 : index
        %swap3A_557 = tpu.vector_load %arg8[%swap3A_555, %swap3A_556] {strides = array<i32>} : memref<2x128xi32, #tpu.memory_space<vmem>>, vector<16xi32>,
        tpu.vector_store %arg8[%swap3A_555, %swap3A_556], %shift_right_logical3A_553 {strides = array<i32>} : memref<2x128xi32, #tpu.memory_space<vmem>>, vector<16xi32>,
        %and3A_558 = arith.constant 1 : i32
        %and3A_559 = vector.broadcast %and3A_558 : i32 to vector<16xi32>
        %and3A_560 = arith.andi %get3A_550, %and3A_559 : vector<16xi32>
        %mul3A_561 = arith.constant 64 : i32
        %mul3A_562 = vector.broadcast %mul3A_561 : i32 to vector<16xi32>
        %mul3A_563 = arith.muli %and3A_560, %mul3A_562 : vector<16xi32>
        %swap3A_564 = arith.constant 1 : i32
        %swap3A_565 = arith.index_cast %swap3A_564 : i32 to index
        %swap3A_566 = arith.constant 16 : index
        %swap3A_567 = tpu.vector_load %arg9[%swap3A_565, %swap3A_566] {strides = array<i32>} : memref<2x128xi32, #tpu.memory_space<vmem>>, vector<16xi32>,
        tpu.vector_store %arg9[%swap3A_565, %swap3A_566], %mul3A_563 {strides = array<i32>} : memref<2x128xi32, #tpu.memory_space<vmem>>, vector<16xi32>,
        %get3A_568 = arith.index_cast %add3A_527 : i32 to index
        %get3A_569 = arith.constant 32 : index
        %get3A_570 = tpu.vector_load %arg6[%get3A_568, %get3A_569] {strides = array<i32>} : memref<200x128xi32, #tpu.memory_space<vmem>>, vector<16xi32>,
        %shift_right_logical3A_571 = arith.constant 1 : i32
        %shift_right_logical3A_572 = vector.broadcast %shift_right_logical3A_571 : i32 to vector<16xi32>
        %shift_right_logical3A_573 = arith.shrui %get3A_570, %shift_right_logical3A_572 : vector<16xi32>
        %swap3A_574 = arith.constant 1 : i32
        %swap3A_575 = arith.index_cast %swap3A_574 : i32 to index
        %swap3A_576 = arith.constant 32 : index
        %swap3A_577 = tpu.vector_load %arg8[%swap3A_575, %swap3A_576] {strides = array<i32>} : memref<2x128xi32, #tpu.memory_space<vmem>>, vector<16xi32>,
        tpu.vector_store %arg8[%swap3A_575, %swap3A_576], %shift_right_logical3A_573 {strides = array<i32>} : memref<2x128xi32, #tpu.memory_space<vmem>>, vector<16xi32>,
        %and3A_578 = arith.constant 1 : i32
        %and3A_579 = vector.broadcast %and3A_578 : i32 to vector<16xi32>
        %and3A_580 = arith.andi %get3A_570, %and3A_579 : vector<16xi32>
        %mul3A_581 = arith.constant 64 : i32
        %mul3A_582 = vector.broadcast %mul3A_581 : i32 to vector<16xi32>
        %mul3A_583 = arith.muli %and3A_580, %mul3A_582 : vector<16xi32>
        %swap3A_584 = arith.constant 1 : i32
        %swap3A_585 = arith.index_cast %swap3A_584 : i32 to index
        %swap3A_586 = arith.constant 32 : index
        %swap3A_587 = tpu.vector_load %arg9[%swap3A_585, %swap3A_586] {strides = array<i32>} : memref<2x128xi32, #tpu.memory_space<vmem>>, vector<16xi32>,
        tpu.vector_store %arg9[%swap3A_585, %swap3A_586], %mul3A_583 {strides = array<i32>} : memref<2x128xi32, #tpu.memory_space<vmem>>, vector<16xi32>,
        %get3A_588 = arith.index_cast %add3A_527 : i32 to index
        %get3A_589 = arith.constant 48 : index
        %get3A_590 = tpu.vector_load %arg6[%get3A_588, %get3A_589] {strides = array<i32>} : memref<200x128xi32, #tpu.memory_space<vmem>>, vector<16xi32>,
        %shift_right_logical3A_591 = arith.constant 1 : i32
        %shift_right_logical3A_592 = vector.broadcast %shift_right_logical3A_591 : i32 to vector<16xi32>
        %shift_right_logical3A_593 = arith.shrui %get3A_590, %shift_right_logical3A_592 : vector<16xi32>
        %swap3A_594 = arith.constant 1 : i32
        %swap3A_595 = arith.index_cast %swap3A_594 : i32 to index
        %swap3A_596 = arith.constant 48 : index
        %swap3A_597 = tpu.vector_load %arg8[%swap3A_595, %swap3A_596] {strides = array<i32>} : memref<2x128xi32, #tpu.memory_space<vmem>>, vector<16xi32>,
        tpu.vector_store %arg8[%swap3A_595, %swap3A_596], %shift_right_logical3A_593 {strides = array<i32>} : memref<2x128xi32, #tpu.memory_space<vmem>>, vector<16xi32>,
        %and3A_598 = arith.constant 1 : i32
        %and3A_599 = vector.broadcast %and3A_598 : i32 to vector<16xi32>
        %and3A_600 = arith.andi %get3A_590, %and3A_599 : vector<16xi32>
        %mul3A_601 = arith.constant 64 : i32
        %mul3A_602 = vector.broadcast %mul3A_601 : i32 to vector<16xi32>
        %mul3A_603 = arith.muli %and3A_600, %mul3A_602 : vector<16xi32>
        %swap3A_604 = arith.constant 1 : i32
        %swap3A_605 = arith.index_cast %swap3A_604 : i32 to index
        %swap3A_606 = arith.constant 48 : index
        %swap3A_607 = tpu.vector_load %arg9[%swap3A_605, %swap3A_606] {strides = array<i32>} : memref<2x128xi32, #tpu.memory_space<vmem>>, vector<16xi32>,
        tpu.vector_store %arg9[%swap3A_605, %swap3A_606], %mul3A_603 {strides = array<i32>} : memref<2x128xi32, #tpu.memory_space<vmem>>, vector<16xi32>,
        %get3A_608 = arith.index_cast %add3A_527 : i32 to index
        %get3A_609 = arith.constant 64 : index
        %get3A_610 = tpu.vector_load %arg6[%get3A_608, %get3A_609] {strides = array<i32>} : memref<200x128xi32, #tpu.memory_space<vmem>>, vector<16xi32>,
        %shift_right_logical3A_611 = arith.constant 1 : i32
        %shift_right_logical3A_612 = vector.broadcast %shift_right_logical3A_611 : i32 to vector<16xi32>
        %shift_right_logical3A_613 = arith.shrui %get3A_610, %shift_right_logical3A_612 : vector<16xi32>
        %swap3A_614 = arith.constant 1 : i32
        %swap3A_615 = arith.index_cast %swap3A_614 : i32 to index
        %swap3A_616 = arith.constant 64 : index
        %swap3A_617 = tpu.vector_load %arg8[%swap3A_615, %swap3A_616] {strides = array<i32>} : memref<2x128xi32, #tpu.memory_space<vmem>>, vector<16xi32>,
        tpu.vector_store %arg8[%swap3A_615, %swap3A_616], %shift_right_logical3A_613 {strides = array<i32>} : memref<2x128xi32, #tpu.memory_space<vmem>>, vector<16xi32>,
        %and3A_618 = arith.constant 1 : i32
        %and3A_619 = vector.broadcast %and3A_618 : i32 to vector<16xi32>
        %and3A_620 = arith.andi %get3A_610, %and3A_619 : vector<16xi32>
        %mul3A_621 = arith.constant 64 : i32
        %mul3A_622 = vector.broadcast %mul3A_621 : i32 to vector<16xi32>
        %mul3A_623 = arith.muli %and3A_620, %mul3A_622 : vector<16xi32>
        %swap3A_624 = arith.constant 1 : i32
        %swap3A_625 = arith.index_cast %swap3A_624 : i32 to index
        %swap3A_626 = arith.constant 64 : index
        %swap3A_627 = tpu.vector_load %arg9[%swap3A_625, %swap3A_626] {strides = array<i32>} : memref<2x128xi32, #tpu.memory_space<vmem>>, vector<16xi32>,
        tpu.vector_store %arg9[%swap3A_625, %swap3A_626], %mul3A_623 {strides = array<i32>} : memref<2x128xi32, #tpu.memory_space<vmem>>, vector<16xi32>,
        %get3A_628 = arith.index_cast %add3A_527 : i32 to index
        %get3A_629 = arith.constant 80 : index
        %get3A_630 = tpu.vector_load %arg6[%get3A_628, %get3A_629] {strides = array<i32>} : memref<200x128xi32, #tpu.memory_space<vmem>>, vector<16xi32>,
        %shift_right_logical3A_631 = arith.constant 1 : i32
        %shift_right_logical3A_632 = vector.broadcast %shift_right_logical3A_631 : i32 to vector<16xi32>
        %shift_right_logical3A_633 = arith.shrui %get3A_630, %shift_right_logical3A_632 : vector<16xi32>
        %swap3A_634 = arith.constant 1 : i32
        %swap3A_635 = arith.index_cast %swap3A_634 : i32 to index
        %swap3A_636 = arith.constant 80 : index
        %swap3A_637 = tpu.vector_load %arg8[%swap3A_635, %swap3A_636] {strides = array<i32>} : memref<2x128xi32, #tpu.memory_space<vmem>>, vector<16xi32>,
        tpu.vector_store %arg8[%swap3A_635, %swap3A_636], %shift_right_logical3A_633 {strides = array<i32>} : memref<2x128xi32, #tpu.memory_space<vmem>>, vector<16xi32>,
        %and3A_638 = arith.constant 1 : i32
        %and3A_639 = vector.broadcast %and3A_638 : i32 to vector<16xi32>
        %and3A_640 = arith.andi %get3A_630, %and3A_639 : vector<16xi32>
        %mul3A_641 = arith.constant 64 : i32
        %mul3A_642 = vector.broadcast %mul3A_641 : i32 to vector<16xi32>
        %mul3A_643 = arith.muli %and3A_640, %mul3A_642 : vector<16xi32>
        %swap3A_644 = arith.constant 1 : i32
        %swap3A_645 = arith.index_cast %swap3A_644 : i32 to index
        %swap3A_646 = arith.constant 80 : index
        %swap3A_647 = tpu.vector_load %arg9[%swap3A_645, %swap3A_646] {strides = array<i32>} : memref<2x128xi32, #tpu.memory_space<vmem>>, vector<16xi32>,
        tpu.vector_store %arg9[%swap3A_645, %swap3A_646], %mul3A_643 {strides = array<i32>} : memref<2x128xi32, #tpu.memory_space<vmem>>, vector<16xi32>,
        %get3A_648 = arith.index_cast %add3A_527 : i32 to index
        %get3A_649 = arith.constant 96 : index
        %get3A_650 = tpu.vector_load %arg6[%get3A_648, %get3A_649] {strides = array<i32>} : memref<200x128xi32, #tpu.memory_space<vmem>>, vector<16xi32>,
        %shift_right_logical3A_651 = arith.constant 1 : i32
        %shift_right_logical3A_652 = vector.broadcast %shift_right_logical3A_651 : i32 to vector<16xi32>
        %shift_right_logical3A_653 = arith.shrui %get3A_650, %shift_right_logical3A_652 : vector<16xi32>
        %swap3A_654 = arith.constant 1 : i32
        %swap3A_655 = arith.index_cast %swap3A_654 : i32 to index
        %swap3A_656 = arith.constant 96 : index
        %swap3A_657 = tpu.vector_load %arg8[%swap3A_655, %swap3A_656] {strides = array<i32>} : memref<2x128xi32, #tpu.memory_space<vmem>>, vector<16xi32>,
        tpu.vector_store %arg8[%swap3A_655, %swap3A_656], %shift_right_logical3A_653 {strides = array<i32>} : memref<2x128xi32, #tpu.memory_space<vmem>>, vector<16xi32>,
        %and3A_658 = arith.constant 1 : i32
        %and3A_659 = vector.broadcast %and3A_658 : i32 to vector<16xi32>
        %and3A_660 = arith.andi %get3A_650, %and3A_659 : vector<16xi32>
        %mul3A_661 = arith.constant 64 : i32
        %mul3A_662 = vector.broadcast %mul3A_661 : i32 to vector<16xi32>
        %mul3A_663 = arith.muli %and3A_660, %mul3A_662 : vector<16xi32>
        %swap3A_664 = arith.constant 1 : i32
        %swap3A_665 = arith.index_cast %swap3A_664 : i32 to index
        %swap3A_666 = arith.constant 96 : index
        %swap3A_667 = tpu.vector_load %arg9[%swap3A_665, %swap3A_666] {strides = array<i32>} : memref<2x128xi32, #tpu.memory_space<vmem>>, vector<16xi32>,
        tpu.vector_store %arg9[%swap3A_665, %swap3A_666], %mul3A_663 {strides = array<i32>} : memref<2x128xi32, #tpu.memory_space<vmem>>, vector<16xi32>,
        %get3A_668 = arith.index_cast %add3A_527 : i32 to index
        %get3A_669 = arith.constant 112 : index
        %get3A_670 = tpu.vector_load %arg6[%get3A_668, %get3A_669] {strides = array<i32>} : memref<200x128xi32, #tpu.memory_space<vmem>>, vector<16xi32>,
        %shift_right_logical3A_671 = arith.constant 1 : i32
        %shift_right_logical3A_672 = vector.broadcast %shift_right_logical3A_671 : i32 to vector<16xi32>
        %shift_right_logical3A_673 = arith.shrui %get3A_670, %shift_right_logical3A_672 : vector<16xi32>
        %swap3A_674 = arith.constant 1 : i32
        %swap3A_675 = arith.index_cast %swap3A_674 : i32 to index
        %swap3A_676 = arith.constant 112 : index
        %swap3A_677 = tpu.vector_load %arg8[%swap3A_675, %swap3A_676] {strides = array<i32>} : memref<2x128xi32, #tpu.memory_space<vmem>>, vector<16xi32>,
        tpu.vector_store %arg8[%swap3A_675, %swap3A_676], %shift_right_logical3A_673 {strides = array<i32>} : memref<2x128xi32, #tpu.memory_space<vmem>>, vector<16xi32>,
        %and3A_678 = arith.constant 1 : i32
        %and3A_679 = vector.broadcast %and3A_678 : i32 to vector<16xi32>
        %and3A_680 = arith.andi %get3A_670, %and3A_679 : vector<16xi32>
        %mul3A_681 = arith.constant 64 : i32
        %mul3A_682 = vector.broadcast %mul3A_681 : i32 to vector<16xi32>
        %mul3A_683 = arith.muli %and3A_680, %mul3A_682 : vector<16xi32>
        %swap3A_684 = arith.constant 1 : i32
        %swap3A_685 = arith.index_cast %swap3A_684 : i32 to index
        %swap3A_686 = arith.constant 112 : index
        %swap3A_687 = tpu.vector_load %arg9[%swap3A_685, %swap3A_686] {strides = array<i32>} : memref<2x128xi32, #tpu.memory_space<vmem>>, vector<16xi32>,
        tpu.vector_store %arg9[%swap3A_685, %swap3A_686], %mul3A_683 {strides = array<i32>} : memref<2x128xi32, #tpu.memory_space<vmem>>, vector<16xi32>,
        %dma_start3A_688 = arith.constant 1 : i32
        %dma_start3A_689 = arith.constant 0 : i32
        %dma_start3A_690 = tpu.memref_slice %arg8[%dma_start3A_688, %dma_start3A_689] : memref<2x128xi32, #tpu.memory_space<vmem>> -> memref<1x128xi32, #tpu.memory_space<vmem>>
        %dma_start3A_691 = tpu.memref_squeeze %dma_start3A_690 : memref<1x128xi32, #tpu.memory_space<vmem>> -> memref<128xi32, #tpu.memory_space<vmem>>
        %dma_start3A_692 = arith.constant 0 : i32
        %dma_start3A_693 = arith.constant 0 : i32
        %dma_start3A_694 = tpu.memref_slice %arg3[%dma_start3A_692, %dma_start3A_693] : memref<500032x128xf32, #tpu.memory_space<hbm>> -> memref<500032x128xf32, #tpu.memory_space<hbm>>
        tpu.enqueue_indirect_dma source(%dma_start3A_694 : memref<500032x128xf32, #tpu.memory_space<hbm>>) target(%arg11 : memref<128x128xf32, #tpu.memory_space<vmem>>) offsets(%dma_start3A_691 : memref<128xi32, #tpu.memory_space<vmem>>) semaphore(%arg15 : memref<!tpu.dma_semaphore, #tpu.memory_space<semaphore_mem>>)
      } else {
      }
    }
    %scan3A_383 = arith.constant 100 : i32
    %dma_wait3A = arith.constant 0 : i32
    %dma_wait3A_384 = arith.constant 0 : i32
    %dma_wait3A_385 = tpu.memref_slice %arg5[%dma_wait3A, %dma_wait3A_384, %mul3A_2] : memref<200x64x4096xf32, #tpu.memory_space<hbm>> -> memref<1x64x128xf32, #tpu.memory_space<hbm>>
    %dma_wait3A_386 = tpu.memref_squeeze %dma_wait3A_385 : memref<1x64x128xf32, #tpu.memory_space<hbm>> -> memref<64x128xf32, #tpu.memory_space<hbm>>
    %dma_wait3A_387 = arith.constant 0 : i32
    %dma_wait3A_388 = tpu.memref_slice %arg5[%dma_wait3A, %dma_wait3A_387, %mul3A_2] : memref<200x64x4096xf32, #tpu.memory_space<hbm>> -> memref<1x64x128xf32, #tpu.memory_space<hbm>>
    %dma_wait3A_389 = tpu.memref_squeeze %dma_wait3A_388 : memref<1x64x128xf32, #tpu.memory_space<hbm>> -> memref<64x128xf32, #tpu.memory_space<hbm>>
    tpu.wait_dma2 semaphore(%arg16 : memref<!tpu.dma_semaphore, #tpu.memory_space<semaphore_mem>>) src(%arg12 : memref<64x128xf32, #tpu.memory_space<vmem>>) dst(%dma_wait3A_389 : memref<64x128xf32, #tpu.memory_space<hbm>>)
    %dma_wait3A_390 = arith.constant 0 : i32
    %dma_wait3A_391 = arith.constant 0 : i32
    %dma_wait3A_392 = tpu.memref_slice %arg5[%dma_wait3A_390, %dma_wait3A_391, %mul3A_2] : memref<200x64x4096xf32, #tpu.memory_space<hbm>> -> memref<1x64x128xf32, #tpu.memory_space<hbm>>
    %dma_wait3A_393 = tpu.memref_squeeze %dma_wait3A_392 : memref<1x64x128xf32, #tpu.memory_space<hbm>> -> memref<64x128xf32, #tpu.memory_space<hbm>>
    %dma_wait3A_394 = arith.constant 0 : i32
    %dma_wait3A_395 = tpu.memref_slice %arg5[%dma_wait3A_390, %dma_wait3A_394, %mul3A_2] : memref<200x64x4096xf32, #tpu.memory_space<hbm>> -> memref<1x64x128xf32, #tpu.memory_space<hbm>>
    %dma_wait3A_396 = tpu.memref_squeeze %dma_wait3A_395 : memref<1x64x128xf32, #tpu.memory_space<hbm>> -> memref<64x128xf32, #tpu.memory_space<hbm>>
    tpu.wait_dma2 semaphore(%arg17 : memref<!tpu.dma_semaphore, #tpu.memory_space<semaphore_mem>>) src(%arg13 : memref<64x128xf32, #tpu.memory_space<vmem>>) dst(%dma_wait3A_396 : memref<64x128xf32, #tpu.memory_space<hbm>>)
    return
  }
}

</mosaic_0001>

<sc_bundles>
// kernel: kernel.4.cloned.1.call-start
scs
__scs_entry_jumppad:
0x0: {  	(pc) =	sbr.rel $0x88, $3  }
0x1: {  	(tag) =	ssettag $0x0;
	lr =	simm.s32 $0x1  }
0x2: {  	[smem:$0x3F9F] =	sst lr;
	_ =	strace $0xD0000000  }
0x3: {  	_ = 	snop  }
0x4: {  	_ = 	snop  }
0x5: {  	_ = 	snop  }
0x6: {  	_ = 	snop  }
0x7: {  	_ = 	snop  }
__scs_overlays_trampoline_lowered:
0x8: {  	[smem:$0x3FAE] =	sst s0  }
0x9: {  	[smem:$0x3FAF] =	sst s1  }
0xa: {  	[smem:$0x3FB0] =	sst s2  }
0xb: {  	[smem:$0x3FB1] =	sst s3  }
0xc: {  	[smem:$0x3FB2] =	sst s4  }
0xd: {  	[smem:$0x3FB3] =	sst s5  }
0xe: {  	[smem:$0x3FB4] =	sst s6  }
0xf: {  	[smem:$0x3FB5] =	sst s7  }
0x10: {  	[smem:$0x3FB6] =	sst s8  }
0x11: {  	[smem:$0x3FB7] =	sst s9;
	s0 =	simm.s32 @!p0 $0x0  }
0x12: {  	s1 =	sld [smem:$0x3F9D];
	s0 =	simm.s32 @p0 $0x1  }
0x13: {  	[smem:$0x3FB8] =	sst s0;
	s0 =	simm.s32 @!p1 $0x0  }
0x14: {  	s2 =	sld [smem:$0x3F9C];
	s0 =	simm.s32 @p1 $0x1  }
0x15: {  	[smem:$0x3FB9] =	sst s0;
	s0 =	simm.s32 @!p2 $0x0  }
0x16: {  	s3 =	sld [smem:$0x3FDB];
	s0 =	simm.s32 @p2 $0x1  }
0x17: {  	s4 =	simm.s32 $0x1BF5;
	[smem:$0x3FBB] =	sst s0  }
0x18: {  	s0 =	sld [smem:$0x3F9E];
	_ =	swait.ge [sflag:s4], $0x0  }
0x19: {  	s7 =	sld [smem:$0x3F9F]  }
0x1a: {  	s8 =	sadd.s32 $0xFFFFE003, lr  }
0x1b: {  	s9 =	sadd.s32 $0xFFFFFEF7, lr;
	s5 =	simm.s32 $0xFFFFFFFF;
	p2 =	slt.u32 s8, $0xFFFFF086  }
0x1c: {  	p1 =	slt.u32 s9, $0xF7A;
	s5 =	simm.s32 @!p2 $0x0  }
0x1d: {  	s5 =	simm.s32 @p1 $0x1;
	p0 =	seq.s32 s7, s2  }
0x1e: {  	s7 =	smul.u32 @!p0 $0xF7A, s2;
	p2 =	seq.s32 @!p0 s5, $0x0  }
0x1f: {  	s9 =	smul.u32 $0xF7A, s1;
	s8 =	simm.s32 @!p0 $0x1BF5;
	p2 =	por !p2, p0  }
0x20: {  	[sflag:s8] =	ssyncset.s32 @!p0 $0xFFFFF086;
	s6 =	sadd.s32 @!p0 s3, s7;
	s7 =	simm.s32 @!p0 $0x108  }
0x21: {  	s3 =	sadd.s32 s3, s9;
	s6 =	sadd.s32 @!p0 $0x88, s6;
	s7 =	simm.s32 @p2 $0x1082  }
0x22: {  	[simem:s7], [sflag:s8] =	dma.local @!p0 [hbm:s6], $0xF7A  }
0x23: {  	s9 =	sor.u32 $0xD0000000, s2;
	s6 =	simm.s32 $0x108;
	_ =	swait.ge @!p0 [sflag:s8], $0x0  }
0x24: {  	s3 =	sadd.s32 $0x88, s3;
	s6 =	simm.s32 @!p1 $0x1082;
	[sflag:s4] =	ssyncset.s32 $0xFFFFF086  }
0x25: {  	[simem:s6], [sflag:s4] =	dma.local [hbm:s3], $0xF7A  }
0x26: {  	[smem:$0x3F9F] =	sst s1;
	(tag) =	ssettag s2;
	_ =	strace s9  }
0x27: {  	s1 =	sld [smem:$0x3FAF]  }
0x28: {  	s2 =	sld [smem:$0x3FB0]  }
0x29: {  	s4 =	sld [smem:$0x3FB2]  }
0x2a: {  	p0 =	seq.s32 s5, $0x0;
	s5 =	sld [smem:$0x3FB3]  }
0x2b: {  	s6 =	sld [smem:$0x3FB4]  }
0x2c: {  	s7 =	sld [smem:$0x3FB5]  }
0x2d: {  	s3 =	simm.s32 $0x108;
	s8 =	sld [smem:$0x3FB6]  }
0x2e: {  	s3 =	simm.s32 @!p0 $0x1082;
	s9 =	sld [smem:$0x3FB7]  }
0x2f: {  	lr =	sadd.s32 s0, s3;
	s0 =	sld [smem:$0x3FAE]  }
0x30: {  	s3 =	sld [smem:$0x3FB1]  }
0x31: {  	[smem:$0x3FBA] =	sst s10  }
0x32: {  	s10 =	sld [smem:$0x3FB8];
	_ =	sdelay $0x3  }
0x33: {  	p0 =	seq.s32 s10, $0x1;
	s10 =	sld [smem:$0x3FBA];
	_ =	sdelay $0x3  }
0x34: {  	[smem:$0x3FBA] =	sst s10  }
0x35: {  	s10 =	sld [smem:$0x3FB9];
	_ =	sdelay $0x3  }
0x36: {  	p1 =	seq.s32 s10, $0x1;
	s10 =	sld [smem:$0x3FBA];
	_ =	sdelay $0x3  }
0x37: {  	[smem:$0x3FBA] =	sst s10  }
0x38: {  	s10 =	sld [smem:$0x3FBB]  }
0x39: {  	_ = 	snop;
	(pc) =	sbr.ind lr, $3  }
0x3a: {  	_ = 	snop  }
0x3b: {  	_ = 	snop  }
0x3c: {  	p2 =	seq.s32 s10, $0x1;
	s10 =	sld [smem:$0x3FBA]  }
0x3d: {  	_ =	shalt  }
0x3e: {  	_ =	shalt  }
0x3f: {  	_ =	shalt  }
0x40: {  	_ =	shalt  }
0x41: {  	_ =	shalt  }
0x42: {  	_ =	shalt  }
0x43: {  	_ =	shalt  }
0x44: {  	_ =	shalt  }
0x45: {  	_ =	shalt  }
0x46: {  	_ =	shalt  }
0x47: {  	_ =	shalt  }
0x48: {  	_ =	shalt  }
0x49: {  	_ =	shalt  }
0x4a: {  	_ =	shalt  }
0x4b: {  	_ =	shalt  }
0x4c: {  	_ =	shalt  }
0x4d: {  	_ =	shalt  }
0x4e: {  	_ =	shalt  }
0x4f: {  	_ =	shalt  }
0x50: {  	_ =	shalt  }
0x51: {  	_ =	shalt  }
0x52: {  	_ =	shalt  }
0x53: {  	_ =	shalt  }
0x54: {  	_ =	shalt  }
0x55: {  	_ =	shalt  }
0x56: {  	_ =	shalt  }
0x57: {  	_ =	shalt  }
0x58: {  	_ =	shalt  }
0x59: {  	_ =	shalt  }
0x5a: {  	_ =	shalt  }
0x5b: {  	_ =	shalt  }
0x5c: {  	_ =	shalt  }
0x5d: {  	_ =	shalt  }
0x5e: {  	_ =	shalt  }
0x5f: {  	_ =	shalt  }
0x60: {  	_ =	shalt  }
0x61: {  	_ =	shalt  }
0x62: {  	_ =	shalt  }
0x63: {  	_ =	shalt  }
0x64: {  	_ =	shalt  }
0x65: {  	_ =	shalt  }
0x66: {  	_ =	shalt  }
0x67: {  	_ =	shalt  }
0x68: {  	_ =	shalt  }
0x69: {  	_ =	shalt  }
0x6a: {  	_ =	shalt  }
0x6b: {  	_ =	shalt  }
0x6c: {  	_ =	shalt  }
0x6d: {  	_ =	shalt  }
0x6e: {  	_ =	shalt  }
0x6f: {  	_ =	shalt  }
0x70: {  	_ =	shalt  }
0x71: {  	_ =	shalt  }
0x72: {  	_ =	shalt  }
0x73: {  	_ =	shalt  }
0x74: {  	_ =	shalt  }
0x75: {  	_ =	shalt  }
0x76: {  	_ =	shalt  }
0x77: {  	_ =	shalt  }
0x78: {  	_ =	shalt  }
0x79: {  	_ =	shalt  }
0x7a: {  	_ =	shalt  }
0x7b: {  	_ =	shalt  }
0x7c: {  	_ =	shalt  }
0x7d: {  	_ =	shalt  }
0x7e: {  	_ =	shalt  }
0x7f: {  	_ =	shalt  }
0x80: {  	_ =	shalt  }
0x81: {  	_ =	shalt  }
0x82: {  	_ =	shalt  }
0x83: {  	_ =	shalt  }
0x84: {  	_ =	shalt  }
0x85: {  	_ =	shalt  }
0x86: {  	_ =	shalt  }
0x87: {  	_ =	shalt  }
.Lfunc_end0:
.L_simem_size_0:
called_computation_lowered:
.L_overlay_start_0:
0x88: {  	s2 =	sld [smem:$0x3FD9]  }
0x89: {  	s3 =	sld [smem:$0x3FFE];
	_ =	sdelay $0x1  }
0x8a: {  	s1 =	srdreg.scid  }
0x8b: {  	s0 =	sand.u32 $0x1, s1  }
0x8c: {  	s17 =	sshll.u32 s0, $0xA;
	s2 =	sadd.s32 s3, s2  }
0x8d: {  	s2 =	sadd.s32 s2, s17  }
0x8e: {  	[smem:$0x3FC6] =	sst s2  }
0x8f: {  	_ = 	snop  }
0x90: {  	s2 =	sld [smem:$0x3FC8];
	(tm) =	ssettm $0x1  }
0x91: {  	s18 =	sld [smem:$0x3FFB];
	_ =	sdelay $0x3  }
0x92: {  	_ =	strace s18  }
0x93: {  	s3 =	sld [smem:$0x3FFC];
	_ =	sdelay $0x3  }
0x94: {  	_ =	strace s3  }
0x95: {  	s3 =	sld [smem:$0x3FFD];
	_ =	sdelay $0x3  }
0x96: {  	_ =	strace s3  }
0x97: {  	_ =	strace $0x8FFFFFFF  }
0x98: {  	s19 =	sld [smem:$0x3FDB];
	_ =	sdelay $0x1  }
0x99: {  	s4 =	simm.s32 $_scs_section_size  }
0x9a: {  	s5 =	simm.s32 $_size__tile_overlayer_lowered;
	s6 =	simm.s32 $_tile_overlayer_lowered  }
0x9b: {  	s22 =	simm.s32 $0x1BFF;
	s21 =	sshll.u32 s6, $0x1;
	s3 =	sadd.s32 s4, s19  }
0x9c: {  	s7 =	simm.s32 $0x0;
	s20 =	sshll.u32 s5, $0x1;
	s5 =	sadd.s32 s21, s3  }
0x9d: {  	[timem:s7], [sflag:s22] =	dma.local [hbm:s5], s20  }
0x9e: {  	_ =	swait.ge [sflag:s22], s20  }
0x9f: {  	s4 =	ssub.s32 $0x0, s20;
	[sflag:s22] =	ssyncset.done $0x0  }
0xa0: {  	[sflag:s22] =	ssyncadd.s32 s4;
	_ =	sdelay $0x1  }
0xa1: {  	s23 =	simm.s32 $0x1B8B  }
0xa2: {  	_ =	swait.ge [sflag:s23], $0x1  }
0xa3: {  	[sflag:s23] =	ssyncset.done $0x0  }
0xa4: {  	s25 =	simm.s32 $0x1B8E;
	s24 =	sld [smem:$0x3FFE];
	[sflag:s23] =	ssyncadd.s32 $0xFFFFFFFF  }
0xa5: {  	s26 =	simm.s32 $execute0_lowered;
	[smem:$0x3FD2] =	sst s25  }
0xa6: {  	s5 =	sshll.u32 s26, $0x1;
	_ =	strace $0x80000046;
	[dreg:$0x1] =	wrdreg $0xFFFFFFFF  }
0xa7: {  	s28 =	simm.s32 $_size_execute0_lowered;
	s3 =	sadd.s32 s3, s5;
	[dreg:$0x0] =	wrdreg $0x0  }
0xa8: {  	s5 =	sshll.u32 s28, $0x1;
	[dreg:$0x2] =	wrdreg s3  }
0xa9: {  	[dreg:$0x3] =	wrdreg s5  }
0xaa: {  	[dreg:$0x4] =	wrdreg $0xC0  }
0xab: {  	_ =	task [dreg:s7], $0x5FFFF  }
0xac: {  	[dreg:$0x1] =	wrdreg $0xFFFFFFFF  }
0xad: {  	[dreg:$0x0] =	wrdreg $0x60  }
0xae: {  	[dreg:$0x2] =	wrdreg s2  }
0xaf: {  	[dreg:$0x3] =	wrdreg s24  }
0xb0: {  	[dreg:$0x4] =	wrdreg $0x9  }
0xb1: {  	_ =	task.clear_ibuf [dreg:s7], $0x5FFFF;
	_ =	strace $0x90000046  }
0xb2: {  	s29 =	simm.s32 $0x9;
	_ =	strace $0x80000048  }
0xb3: {  	_ =	swait.ge [sflag:s29], $0x1  }
0xb4: {  	[sflag:s29] =	ssyncadd.s32 $0xFFFFFFFF  }
0xb5: {  	_ =	strace $0x90000048  }
0xb6: {  	_ =	sfence  }
0xb7: {  	s30 =	sld [smem:$0x0];
	_ =	sdelay $0x2  }
0xb8: {  	s31 =	sshll.u32 s1, $0xD;
	s1 =	sshrl.u32 s1, $0x2  }
0xb9: {  	s3 =	sand.u32 $0x4000, s31;
	s1 =	sadd.s32 s1, s30  }
0xba: {  	s0 =	sor.u32 s3, s0;
	s1 =	sshll.u32 s1, $0x11  }
0xbb: {  	s0 =	sor.u32 s1, s0  }
0xbc: {  	s0 =	sadd.s32 $0x8F2B, s0  }
0xbd: {  	[sflag:s0] =	ssyncadd.remote.s32 $0x1  }
0xbe: {  	_ =	sfence.sel $0xFFFF  }
0xbf: {  	[dreg:$0x0] =	wrdreg $0xFFFFFFFF;
	(pc) =	sbr.abs _section_cstart, $3  }
0xc0: {  	[dreg:$0x1] =	wrdreg $0xFFFFFFFF  }
0xc1: {  	_ =	task.clear_ibuf [dreg:s7], $0x2FFFF;
	_ =	strace $0x9FFFFFFF  }
0xc2: {  	(tm) =	ssettm $0x7FFFFFFF  }
0xc3: {  	_ =	shalt  }
tec
execute0_lowered:
.L_overlay_start_1:
0x0: {  	(tag) =	ssettag $0x1  }
0x1: {  	s7 =	rddreg [dreg:$0x0];
	s1 =	srdreg.scid  }
0x2: {  	s0 =	stileid.u32;
	s5 =	rddreg [dreg:$0x1]  }
0x3: {  	s2 =	simm.s32 $0x0;
	s9 =	simm.s32 $0x400;
	s10 =	simm.s32 $0x7A1400  }
0x4: {  	s11 =	simm.s32 $0x2000;
	s12 =	simm.s32 $0x1;
	s13 =	simm.s32 $0x4000  }
0x5: {  	s14 =	simm.s32 $0x2;
	s15 =	simm.s32 $0x6000;
	s16 =	simm.s32 $0x3  }
0x6: {  	s17 =	simm.s32 $0x4;
	s18 =	simm.s32 $0x0;
	s4 =	sand.u32 $0x1, s1  }
.Ltmp0:
0x7: {  	s3 =	sshll.u32 s0, $0x1;
	s1 =	rddreg [dreg:$0x2];
	(pc) =	sbr.rel .LBB2_1-.Ltmp0, $4  }
0x8: {  	v0 =	vlaneseq.u32;
	[smem:$0x7FF] =	sst s2;
	s3 =	sor.u32 s4, s3;
	s6 =	ssub.s32 $0x2, s4  }
0x9: {  	s5 =	sadd.s32 $0xA00, s5;
	v0 =	vmul.u32 $0x80, v0;
	s31 =	sshll.u32 s3, $0x7;
	s8 =	sshrl.u32 s6, $0x1  }
0xa: {  	_ =	strace $0x80000047;
	s4 =	sadd.s32 s7, s31;
	s8 =	ssub.s32 s6, s8  }
0xb: {  	v1 =	vor.u32 $0x800, v0;
	v2 =	vor.u32 $0x1000, v0;
	v3 =	vor.u32 $0x1800, v0;
	s7 =	sadd.s32 $0x2000, s7;
	s6 =	sadd.s32 $0x1000, s4;
	s8 =	smax.u32 s8, $0x1  }
.LBB2_11:
0xc: {  	s18 =	sadd.s32 $0x1, s18  }
0xd: {  	_ =	swait.ge [sflag:s16], $0x2000;
	p0 =	sne.s32 s18, s8  }
.Ltmp1:
0xe: {  	[sflag:s16] =	ssyncset.done $0x0;
	(pc) =	sbr.rel @!p0 .LBB2_12-.Ltmp1, $4  }
0xf: {  	[sflag:s16] =	ssyncadd.s32 $0xFFFFE000  }
0x10: {  	_ =	swait.ge [sflag:s17], $0x2000  }
0x11: {  	[sflag:s17] =	ssyncset.done $0x0  }
0x12: {  	[sflag:s17] =	ssyncadd.s32 $0xFFFFE000  }
.LBB2_1:
.Ltmp2:
0x13: {  	(pc) =	sbr.rel .LBB2_2-.Ltmp2, $4  }
0x14: {  	_ = 	snop  }
0x15: {  	[tilespmem:s2], [sflag:$0x1] =	stream.strided.gather [hbm4b:s4+s9], $0x2000, s10, s9, $0x38;
	[tilespmem:$0x8000] =	vst v63  }
0x16: {  	s19 =	simm.s32 $0x0  }
0x17: {  	[tilespmem:s11], [sflag:$0x2] =	stream.strided.gather [hbm4b:s6+s9], $0x2000, s10, s9, $0x38;
	[tilespmem:$0x8000] =	vst v63  }
.LBB2_10:
0x18: {  	s19 =	sadd.s32 $0x1, s19  }
0x19: {  	p0 =	sne.s32 s19, $0x7B  }
.Ltmp3:
0x1a: {  	_ = 	snop;
	(pc) =	sbr.rel @!p0 .LBB2_11-.Ltmp3, $1  }
0x1b: {  	_ =	sdelay $0x3  }
.LBB2_2:
0x1c: {  	s20 =	sshll.u32 s19, $0x6  }
0x1d: {  	s20 =	sor.u32 s3, s20  }
0x1e: {  	p1 =	sgt.u32 s20, $0x1E84  }
.Ltmp4:
0x1f: {  	_ = 	snop;
	(pc) =	sbr.rel @p1 .LBB2_6-.Ltmp4, $2  }
0x20: {  	_ =	sdelay $0x2  }
0x21: {  	p0 =	seq.s32 s19, $0x0  }
0x22: {  	s21 =	simm.s32 $0x0  }
0x23: {  	v4 =	vmov s21  }
0x24: {  	v4 =	vand.u32 $0x7E, v4  }
0x25: {  	v4 =	vbroadcast v4, $0x0  }
0x26: {  	_ =	swait.ge [sflag:s12], $0x2000  }
0x27: {  	[sflag:s12] =	ssyncset.done $0x0;
	v5 =	vor.u32 v0, v4  }
0x28: {  	s21 =	simm.s32 @!p0 $0x3;
	[sflag:s12] =	ssyncadd.s32 $0xFFFFE000  }
0x29: {  	_ =	swait.ge @!p0 [sflag:s21], $0x2000  }
0x2a: {  	[sflag:s21] =	ssyncset.done @!p0 $0x0  }
0x2b: {  	[sflag:s21] =	ssyncadd.s32 @!p0 $0xFFFFE000  }
0x2c: {  	v5 =	vld.idx.msk [tilespmem:v5+s2+$0x0], $0xffff;
	_ =	sdelay $0x2  }
0x2d: {  	v6 =	vor.u32 v1, v4;
	_ =	sdelay $0x1  }
0x2e: {  	v5 =	vmul.f32 $8.000000000e+00, v5  }
0x2f: {  	s21 =	simm.s32 $0x4040  }
0x30: {  	[tilespmem:s21+$0xFFFFFFC0] =	vst v5  }
0x31: {  	v5 =	vld.idx.msk [tilespmem:v6+s2+$0x0], $0xffff;
	_ =	sdelay $0x2  }
0x32: {  	v6 =	vor.u32 v2, v4;
	_ =	sdelay $0x1  }
0x33: {  	v5 =	vmul.f32 $8.000000000e+00, v5;
	_ =	sdelay $0x1  }
0x34: {  	[tilespmem:s21+$0xFFFFFFD0] =	vst v5  }
0x35: {  	v5 =	vld.idx.msk [tilespmem:v6+s2+$0x0], $0xffff;
	_ =	sdelay $0x2  }
0x36: {  	v4 =	vor.u32 v3, v4;
	_ =	sdelay $0x1  }
0x37: {  	v5 =	vmul.f32 $8.000000000e+00, v5  }
0x38: {  	s22 =	simm.s32 $0x1  }
0x39: {  	[tilespmem:s21+$0xFFFFFFE0] =	vst v5;
	v5 =	vmov s22  }
0x3a: {  	v4 =	vld.idx.msk [tilespmem:v4+s2+$0x0], $0xffff;
	v5 =	vand.u32 $0x7F, v5  }
0x3b: {  	v5 =	vbroadcast v5, $0x0;
	_ =	sdelay $0x1  }
0x3c: {  	v6 =	vor.u32 v0, v5;
	_ =	sdelay $0x1  }
0x3d: {  	v4 =	vmul.f32 $8.000000000e+00, v4;
	_ =	sdelay $0x1  }
0x3e: {  	[tilespmem:s21+$0xFFFFFFF0] =	vst v4  }
0x3f: {  	v4 =	vld.idx.msk [tilespmem:v6+s2+$0x0], $0xffff;
	_ =	sdelay $0x2  }
0x40: {  	v6 =	vor.u32 v1, v5;
	_ =	sdelay $0x1  }
0x41: {  	v4 =	vmul.f32 $8.000000000e+00, v4;
	_ =	sdelay $0x1  }
0x42: {  	[tilespmem:s21+$0x0] =	vst v4  }
0x43: {  	v4 =	vld.idx.msk [tilespmem:v6+s2+$0x0], $0xffff;
	_ =	sdelay $0x2  }
0x44: {  	v6 =	vor.u32 v2, v5;
	_ =	sdelay $0x1  }
0x45: {  	v4 =	vmul.f32 $8.000000000e+00, v4;
	_ =	sdelay $0x1  }
0x46: {  	[tilespmem:s21+$0x10] =	vst v4  }
0x47: {  	v4 =	vld.idx.msk [tilespmem:v6+s2+$0x0], $0xffff;
	_ =	sdelay $0x2  }
0x48: {  	v6 =	vor.u32 v3, v5;
	_ =	sdelay $0x1  }
0x49: {  	v4 =	vmul.f32 $8.000000000e+00, v4;
	_ =	sdelay $0x1  }
0x4a: {  	s22 =	simm.s32 $0x2;
	[tilespmem:s21+$0x20] =	vst v4  }
0x4b: {  	s23 =	simm.s32 $0x4;
	v5 =	vmov s22;
	v4 =	vld.idx.msk [tilespmem:v6+s2+$0x0], $0xffff  }
.LBB2_4:
0x4c: {  	p1 =	sne.s32 s23, $0x7E;
	v5 =	vand.u32 $0x7E, v5  }
0x4d: {  	v5 =	vbroadcast v5, $0x0;
	_ =	sdelay $0x1  }
0x4e: {  	v6 =	vor.u32 v0, v5;
	_ =	sdelay $0x1  }
0x4f: {  	v4 =	vmul.f32 $8.000000000e+00, v4;
	_ =	sdelay $0x1  }
0x50: {  	[tilespmem:s21+$0x30] =	vst v4  }
0x51: {  	v4 =	vld.idx.msk [tilespmem:v6+s2+$0x0], $0xffff;
	_ =	sdelay $0x3  }
0x52: {  	v6 =	vor.u32 v1, v5;
	_ =	sdelay $0x1  }
0x53: {  	v4 =	vmul.f32 $8.000000000e+00, v4  }
0x54: {  	s21 =	sadd.s32 $0x80, s21  }
0x55: {  	[tilespmem:s21+$0xFFFFFFC0] =	vst v4  }
0x56: {  	v4 =	vld.idx.msk [tilespmem:v6+s2+$0x0], $0xffff;
	_ =	sdelay $0x3  }
0x57: {  	v6 =	vor.u32 v2, v5;
	_ =	sdelay $0x1  }
0x58: {  	v4 =	vmul.f32 $8.000000000e+00, v4;
	_ =	sdelay $0x1  }
0x59: {  	[tilespmem:s21+$0xFFFFFFD0] =	vst v4  }
0x5a: {  	v4 =	vld.idx.msk [tilespmem:v6+s2+$0x0], $0xffff;
	_ =	sdelay $0x3  }
0x5b: {  	v5 =	vor.u32 v3, v5;
	_ =	sdelay $0x1  }
0x5c: {  	v4 =	vmul.f32 $8.000000000e+00, v4;
	_ =	sdelay $0x1  }
0x5d: {  	s24 =	sadd.s32 $0x1, s22;
	s22 =	smov.u32 s23;
	[tilespmem:s21+$0xFFFFFFE0] =	vst v4  }
0x5e: {  	v4 =	vld.idx.msk [tilespmem:v5+s2+$0x0], $0xffff;
	v5 =	vmov s24  }
0x5f: {  	v5 =	vand.u32 $0x7F, v5  }
0x60: {  	v5 =	vbroadcast v5, $0x0;
	_ =	sdelay $0x1  }
0x61: {  	v6 =	vor.u32 v0, v5;
	_ =	sdelay $0x1  }
0x62: {  	v4 =	vmul.f32 $8.000000000e+00, v4;
	_ =	sdelay $0x1  }
0x63: {  	[tilespmem:s21+$0xFFFFFFF0] =	vst v4  }
0x64: {  	v4 =	vld.idx.msk [tilespmem:v6+s2+$0x0], $0xffff;
	_ =	sdelay $0x3  }
0x65: {  	v6 =	vor.u32 v1, v5;
	_ =	sdelay $0x1  }
0x66: {  	v4 =	vmul.f32 $8.000000000e+00, v4;
	_ =	sdelay $0x1  }
0x67: {  	[tilespmem:s21+$0x0] =	vst v4  }
0x68: {  	v4 =	vld.idx.msk [tilespmem:v6+s2+$0x0], $0xffff;
	_ =	sdelay $0x3  }
0x69: {  	v6 =	vor.u32 v2, v5;
	_ =	sdelay $0x1  }
0x6a: {  	v4 =	vmul.f32 $8.000000000e+00, v4;
	_ =	sdelay $0x1  }
0x6b: {  	[tilespmem:s21+$0x10] =	vst v4  }
0x6c: {  	v4 =	vld.idx.msk [tilespmem:v6+s2+$0x0], $0xffff;
	_ =	sdelay $0x3  }
0x6d: {  	v6 =	vor.u32 v3, v5  }
.Ltmp5:
0x6e: {  	(pc) =	sbr.rel @p1 .LBB2_4-.Ltmp5, $3  }
0x6f: {  	v4 =	vmul.f32 $8.000000000e+00, v4;
	_ =	sdelay $0x1  }
0x70: {  	[tilespmem:s21+$0x20] =	vst v4  }
0x71: {  	s23 =	sadd.s32 $0x2, s23;
	v5 =	vmov s22;
	v4 =	vld.idx.msk [tilespmem:v6+s2+$0x0], $0xffff  }
0x72: {  	v5 =	vand.u32 $0x7E, v5  }
0x73: {  	v5 =	vbroadcast v5, $0x0;
	_ =	sdelay $0x1  }
0x74: {  	v6 =	vor.u32 v0, v5;
	_ =	sdelay $0x1  }
0x75: {  	v4 =	vmul.f32 $8.000000000e+00, v4;
	_ =	sdelay $0x1  }
0x76: {  	[tilespmem:s21+$0x30] =	vst v4  }
0x77: {  	v4 =	vld.idx.msk [tilespmem:v6+s2+$0x0], $0xffff;
	_ =	sdelay $0x2  }
0x78: {  	v59 =	vor.u32 v1, v5;
	_ =	sdelay $0x1  }
0x79: {  	v4 =	vmul.f32 $8.000000000e+00, v4  }
0x7a: {  	s29 =	sadd.s32 $0x80, s21  }
0x7b: {  	[tilespmem:s29+$0xFFFFFFC0] =	vst v4  }
0x7c: {  	v4 =	vld.idx.msk [tilespmem:v59+s2+$0x0], $0xffff;
	_ =	sdelay $0x2  }
0x7d: {  	v60 =	vor.u32 v2, v5;
	_ =	sdelay $0x1  }
0x7e: {  	v4 =	vmul.f32 $8.000000000e+00, v4;
	_ =	sdelay $0x1  }
0x7f: {  	[tilespmem:s29+$0xFFFFFFD0] =	vst v4  }
0x80: {  	v4 =	vld.idx.msk [tilespmem:v60+s2+$0x0], $0xffff;
	_ =	sdelay $0x2  }
0x81: {  	v5 =	vor.u32 v3, v5;
	_ =	sdelay $0x1  }
0x82: {  	v4 =	vmul.f32 $8.000000000e+00, v4  }
0x83: {  	s22 =	sadd.s32 $0x1, s22  }
0x84: {  	[tilespmem:s29+$0xFFFFFFE0] =	vst v4;
	v4 =	vmov s22  }
0x85: {  	v5 =	vld.idx.msk [tilespmem:v5+s2+$0x0], $0xffff;
	v4 =	vand.u32 $0x7F, v4  }
0x86: {  	v4 =	vbroadcast v4, $0x0;
	_ =	sdelay $0x1  }
0x87: {  	v61 =	vor.u32 v0, v4;
	_ =	sdelay $0x1  }
0x88: {  	v5 =	vmul.f32 $8.000000000e+00, v5;
	_ =	sdelay $0x1  }
0x89: {  	[tilespmem:s29+$0xFFFFFFF0] =	vst v5  }
0x8a: {  	v5 =	vld.idx.msk [tilespmem:v61+s2+$0x0], $0xffff;
	_ =	sdelay $0x2  }
0x8b: {  	v62 =	vor.u32 v1, v4;
	_ =	sdelay $0x1  }
0x8c: {  	v5 =	vmul.f32 $8.000000000e+00, v5;
	_ =	sdelay $0x1  }
0x8d: {  	[tilespmem:s29+$0x0] =	vst v5  }
0x8e: {  	v5 =	vld.idx.msk [tilespmem:v62+s2+$0x0], $0xffff;
	_ =	sdelay $0x2  }
0x8f: {  	v63 =	vor.u32 v2, v4;
	_ =	sdelay $0x1  }
0x90: {  	v5 =	vmul.f32 $8.000000000e+00, v5;
	_ =	sdelay $0x1  }
0x91: {  	[tilespmem:s29+$0x10] =	vst v5  }
0x92: {  	v5 =	vld.idx.msk [tilespmem:v63+s2+$0x0], $0xffff;
	_ =	sdelay $0x2  }
0x93: {  	v4 =	vor.u32 v3, v4;
	_ =	sdelay $0x1  }
0x94: {  	v5 =	vmul.f32 $8.000000000e+00, v5;
	_ =	sdelay $0x1  }
0x95: {  	[tilespmem:s29+$0x20] =	vst v5  }
0x96: {  	v4 =	vld.idx.msk [tilespmem:v4+s2+$0x0], $0xffff;
	_ =	sdelay $0x4  }
0x97: {  	v4 =	vmul.f32 $8.000000000e+00, v4  }
0x98: {  	s30 =	sshll.u32 s20, $0xA;
	p1 =	sgt.u32 s20, $0x1E44  }
0x99: {  	s31 =	sadd.s32 s5, s30;
	s23 =	simm.s32 @!p1 $0x7A1400;
	s21 =	sshll.u32 @!p1 s20, $0x7;
	[tilespmem:s29+$0x30] =	vst v4  }
0x9a: {  	[hbm4b:s31+s2] =	stream.linear.scatter [tilespmem:s13], [sflag:$0x3], $0x2000, $0x38;
	[tilespmem:$0x8000] =	vst v63  }
0x9b: {  	s24 =	simm.s32 @!p1 $0x0;
	s21 =	sadd.s32 @!p1 s21, s7;
	s22 =	simm.s32 @!p1 $0x400  }
0x9c: {  	[tilespmem:s24], [sflag:$0x1] =	stream.strided.gather @!p1 [hbm4b:s21+s22], $0x2000, s23, s22, $0x38;
	[tilespmem:$0x8000] =	vst v63  }
.LBB2_6:
0x9d: {  	s20 =	sor.u32 $0x20, s20  }
0x9e: {  	p1 =	sgt.u32 s20, $0x1E84  }
.Ltmp6:
0x9f: {  	_ = 	snop;
	(pc) =	sbr.rel @p1 .LBB2_10-.Ltmp6, $1  }
0xa0: {  	_ =	sdelay $0x3  }
0xa1: {  	s21 =	simm.s32 $0x0  }
0xa2: {  	v4 =	vmov s21  }
0xa3: {  	v4 =	vand.u32 $0x7E, v4  }
0xa4: {  	v4 =	vbroadcast v4, $0x0  }
0xa5: {  	_ =	swait.ge [sflag:s14], $0x2000  }
0xa6: {  	[sflag:s14] =	ssyncset.done $0x0;
	v5 =	vor.u32 v0, v4  }
0xa7: {  	s21 =	simm.s32 @!p0 $0x4;
	[sflag:s14] =	ssyncadd.s32 $0xFFFFE000  }
0xa8: {  	_ =	swait.ge @!p0 [sflag:s21], $0x2000  }
0xa9: {  	[sflag:s21] =	ssyncset.done @!p0 $0x0  }
0xaa: {  	[sflag:s21] =	ssyncadd.s32 @!p0 $0xFFFFE000  }
0xab: {  	v5 =	vld.idx.msk [tilespmem:v5+s11+$0x0], $0xffff;
	_ =	sdelay $0x2  }
0xac: {  	v6 =	vor.u32 v1, v4;
	_ =	sdelay $0x1  }
0xad: {  	v5 =	vmul.f32 $8.000000000e+00, v5  }
0xae: {  	s21 =	simm.s32 $0x6040  }
0xaf: {  	[tilespmem:s21+$0xFFFFFFC0] =	vst v5  }
0xb0: {  	v5 =	vld.idx.msk [tilespmem:v6+s11+$0x0], $0xffff;
	_ =	sdelay $0x2  }
0xb1: {  	v6 =	vor.u32 v2, v4;
	_ =	sdelay $0x1  }
0xb2: {  	v5 =	vmul.f32 $8.000000000e+00, v5;
	_ =	sdelay $0x1  }
0xb3: {  	[tilespmem:s21+$0xFFFFFFD0] =	vst v5  }
0xb4: {  	v5 =	vld.idx.msk [tilespmem:v6+s11+$0x0], $0xffff;
	_ =	sdelay $0x2  }
0xb5: {  	v4 =	vor.u32 v3, v4;
	_ =	sdelay $0x1  }
0xb6: {  	v5 =	vmul.f32 $8.000000000e+00, v5  }
0xb7: {  	s22 =	simm.s32 $0x1  }
0xb8: {  	[tilespmem:s21+$0xFFFFFFE0] =	vst v5;
	v5 =	vmov s22  }
0xb9: {  	v4 =	vld.idx.msk [tilespmem:v4+s11+$0x0], $0xffff;
	v5 =	vand.u32 $0x7F, v5  }
0xba: {  	v5 =	vbroadcast v5, $0x0;
	_ =	sdelay $0x1  }
0xbb: {  	v6 =	vor.u32 v0, v5;
	_ =	sdelay $0x1  }
0xbc: {  	v4 =	vmul.f32 $8.000000000e+00, v4;
	_ =	sdelay $0x1  }
0xbd: {  	[tilespmem:s21+$0xFFFFFFF0] =	vst v4  }
0xbe: {  	v4 =	vld.idx.msk [tilespmem:v6+s11+$0x0], $0xffff;
	_ =	sdelay $0x2  }
0xbf: {  	v6 =	vor.u32 v1, v5;
	_ =	sdelay $0x1  }
0xc0: {  	v4 =	vmul.f32 $8.000000000e+00, v4;
	_ =	sdelay $0x1  }
0xc1: {  	[tilespmem:s21+$0x0] =	vst v4  }
0xc2: {  	v4 =	vld.idx.msk [tilespmem:v6+s11+$0x0], $0xffff;
	_ =	sdelay $0x2  }
0xc3: {  	v6 =	vor.u32 v2, v5;
	_ =	sdelay $0x1  }
0xc4: {  	v4 =	vmul.f32 $8.000000000e+00, v4;
	_ =	sdelay $0x1  }
0xc5: {  	[tilespmem:s21+$0x10] =	vst v4  }
0xc6: {  	v4 =	vld.idx.msk [tilespmem:v6+s11+$0x0], $0xffff;
	_ =	sdelay $0x2  }
0xc7: {  	v6 =	vor.u32 v3, v5;
	_ =	sdelay $0x1  }
0xc8: {  	v4 =	vmul.f32 $8.000000000e+00, v4;
	_ =	sdelay $0x1  }
0xc9: {  	s22 =	simm.s32 $0x2;
	[tilespmem:s21+$0x20] =	vst v4  }
0xca: {  	s23 =	simm.s32 $0x4;
	v5 =	vmov s22;
	v4 =	vld.idx.msk [tilespmem:v6+s11+$0x0], $0xffff  }
.LBB2_8:
0xcb: {  	p0 =	sne.s32 s23, $0x7E;
	v5 =	vand.u32 $0x7E, v5  }
0xcc: {  	v5 =	vbroadcast v5, $0x0;
	_ =	sdelay $0x1  }
0xcd: {  	v6 =	vor.u32 v0, v5;
	_ =	sdelay $0x1  }
0xce: {  	v4 =	vmul.f32 $8.000000000e+00, v4;
	_ =	sdelay $0x1  }
0xcf: {  	[tilespmem:s21+$0x30] =	vst v4  }
0xd0: {  	v4 =	vld.idx.msk [tilespmem:v6+s11+$0x0], $0xffff;
	_ =	sdelay $0x3  }
0xd1: {  	v6 =	vor.u32 v1, v5;
	_ =	sdelay $0x1  }
0xd2: {  	v4 =	vmul.f32 $8.000000000e+00, v4  }
0xd3: {  	s21 =	sadd.s32 $0x80, s21  }
0xd4: {  	[tilespmem:s21+$0xFFFFFFC0] =	vst v4  }
0xd5: {  	v4 =	vld.idx.msk [tilespmem:v6+s11+$0x0], $0xffff;
	_ =	sdelay $0x3  }
0xd6: {  	v6 =	vor.u32 v2, v5;
	_ =	sdelay $0x1  }
0xd7: {  	v4 =	vmul.f32 $8.000000000e+00, v4;
	_ =	sdelay $0x1  }
0xd8: {  	[tilespmem:s21+$0xFFFFFFD0] =	vst v4  }
0xd9: {  	v4 =	vld.idx.msk [tilespmem:v6+s11+$0x0], $0xffff;
	_ =	sdelay $0x3  }
0xda: {  	v5 =	vor.u32 v3, v5;
	_ =	sdelay $0x1  }
0xdb: {  	v4 =	vmul.f32 $8.000000000e+00, v4;
	_ =	sdelay $0x1  }
0xdc: {  	s24 =	sadd.s32 $0x1, s22;
	s22 =	smov.u32 s23;
	[tilespmem:s21+$0xFFFFFFE0] =	vst v4  }
0xdd: {  	v4 =	vld.idx.msk [tilespmem:v5+s11+$0x0], $0xffff;
	v5 =	vmov s24  }
0xde: {  	v5 =	vand.u32 $0x7F, v5  }
0xdf: {  	v5 =	vbroadcast v5, $0x0;
	_ =	sdelay $0x1  }
0xe0: {  	v6 =	vor.u32 v0, v5;
	_ =	sdelay $0x1  }
0xe1: {  	v4 =	vmul.f32 $8.000000000e+00, v4;
	_ =	sdelay $0x1  }
0xe2: {  	[tilespmem:s21+$0xFFFFFFF0] =	vst v4  }
0xe3: {  	v4 =	vld.idx.msk [tilespmem:v6+s11+$0x0], $0xffff;
	_ =	sdelay $0x3  }
0xe4: {  	v6 =	vor.u32 v1, v5;
	_ =	sdelay $0x1  }
0xe5: {  	v4 =	vmul.f32 $8.000000000e+00, v4;
	_ =	sdelay $0x1  }
0xe6: {  	[tilespmem:s21+$0x0] =	vst v4  }
0xe7: {  	v4 =	vld.idx.msk [tilespmem:v6+s11+$0x0], $0xffff;
	_ =	sdelay $0x3  }
0xe8: {  	v6 =	vor.u32 v2, v5;
	_ =	sdelay $0x1  }
0xe9: {  	v4 =	vmul.f32 $8.000000000e+00, v4;
	_ =	sdelay $0x1  }
0xea: {  	[tilespmem:s21+$0x10] =	vst v4  }
0xeb: {  	v4 =	vld.idx.msk [tilespmem:v6+s11+$0x0], $0xffff;
	_ =	sdelay $0x3  }
0xec: {  	v6 =	vor.u32 v3, v5  }
.Ltmp7:
0xed: {  	(pc) =	sbr.rel @p0 .LBB2_8-.Ltmp7, $3  }
0xee: {  	v4 =	vmul.f32 $8.000000000e+00, v4;
	_ =	sdelay $0x1  }
0xef: {  	[tilespmem:s21+$0x20] =	vst v4  }
0xf0: {  	s23 =	sadd.s32 $0x2, s23;
	v5 =	vmov s22;
	v4 =	vld.idx.msk [tilespmem:v6+s11+$0x0], $0xffff  }
0xf1: {  	v5 =	vand.u32 $0x7E, v5  }
0xf2: {  	v5 =	vbroadcast v5, $0x0;
	_ =	sdelay $0x1  }
0xf3: {  	v6 =	vor.u32 v0, v5;
	_ =	sdelay $0x1  }
0xf4: {  	v4 =	vmul.f32 $8.000000000e+00, v4;
	_ =	sdelay $0x1  }
0xf5: {  	[tilespmem:s21+$0x30] =	vst v4  }
0xf6: {  	v4 =	vld.idx.msk [tilespmem:v6+s11+$0x0], $0xffff;
	_ =	sdelay $0x2  }
0xf7: {  	v59 =	vor.u32 v1, v5;
	_ =	sdelay $0x1  }
0xf8: {  	v4 =	vmul.f32 $8.000000000e+00, v4  }
0xf9: {  	s29 =	sadd.s32 $0x80, s21  }
0xfa: {  	[tilespmem:s29+$0xFFFFFFC0] =	vst v4  }
0xfb: {  	v4 =	vld.idx.msk [tilespmem:v59+s11+$0x0], $0xffff;
	_ =	sdelay $0x2  }
0xfc: {  	v60 =	vor.u32 v2, v5;
	_ =	sdelay $0x1  }
0xfd: {  	v4 =	vmul.f32 $8.000000000e+00, v4;
	_ =	sdelay $0x1  }
0xfe: {  	[tilespmem:s29+$0xFFFFFFD0] =	vst v4  }
0xff: {  	v4 =	vld.idx.msk [tilespmem:v60+s11+$0x0], $0xffff;
	_ =	sdelay $0x2  }
0x100: {  	v5 =	vor.u32 v3, v5;
	_ =	sdelay $0x1  }
0x101: {  	v4 =	vmul.f32 $8.000000000e+00, v4  }
0x102: {  	s22 =	sadd.s32 $0x1, s22  }
0x103: {  	[tilespmem:s29+$0xFFFFFFE0] =	vst v4;
	v4 =	vmov s22  }
0x104: {  	v5 =	vld.idx.msk [tilespmem:v5+s11+$0x0], $0xffff;
	v4 =	vand.u32 $0x7F, v4  }
0x105: {  	v4 =	vbroadcast v4, $0x0;
	_ =	sdelay $0x1  }
0x106: {  	v61 =	vor.u32 v0, v4;
	_ =	sdelay $0x1  }
0x107: {  	v5 =	vmul.f32 $8.000000000e+00, v5;
	_ =	sdelay $0x1  }
0x108: {  	[tilespmem:s29+$0xFFFFFFF0] =	vst v5  }
0x109: {  	v5 =	vld.idx.msk [tilespmem:v61+s11+$0x0], $0xffff;
	_ =	sdelay $0x2  }
0x10a: {  	v62 =	vor.u32 v1, v4;
	_ =	sdelay $0x1  }
0x10b: {  	v5 =	vmul.f32 $8.000000000e+00, v5;
	_ =	sdelay $0x1  }
0x10c: {  	[tilespmem:s29+$0x0] =	vst v5  }
0x10d: {  	v5 =	vld.idx.msk [tilespmem:v62+s11+$0x0], $0xffff;
	_ =	sdelay $0x2  }
0x10e: {  	v63 =	vor.u32 v2, v4;
	_ =	sdelay $0x1  }
0x10f: {  	v5 =	vmul.f32 $8.000000000e+00, v5;
	_ =	sdelay $0x1  }
0x110: {  	[tilespmem:s29+$0x10] =	vst v5  }
0x111: {  	v5 =	vld.idx.msk [tilespmem:v63+s11+$0x0], $0xffff;
	_ =	sdelay $0x2  }
0x112: {  	v4 =	vor.u32 v3, v4;
	_ =	sdelay $0x1  }
0x113: {  	v5 =	vmul.f32 $8.000000000e+00, v5;
	_ =	sdelay $0x1  }
0x114: {  	[tilespmem:s29+$0x20] =	vst v5  }
0x115: {  	v4 =	vld.idx.msk [tilespmem:v4+s11+$0x0], $0xffff;
	_ =	sdelay $0x4  }
0x116: {  	v4 =	vmul.f32 $8.000000000e+00, v4  }
.Ltmp8:
0x117: {  	s30 =	sshll.u32 s20, $0xA;
	p0 =	sgt.u32 s20, $0x1E44;
	(pc) =	sbr.rel .LBB2_10-.Ltmp8, $4  }
0x118: {  	s31 =	sadd.s32 s5, s30;
	s20 =	sshll.u32 @!p0 s20, $0x7;
	s23 =	simm.s32 @!p0 $0x2000;
	[tilespmem:s29+$0x30] =	vst v4  }
0x119: {  	[hbm4b:s31+s2] =	stream.linear.scatter [tilespmem:s15], [sflag:$0x4], $0x2000, $0x38;
	[tilespmem:$0x8000] =	vst v63  }
0x11a: {  	s20 =	sadd.s32 @!p0 s20, s7;
	s21 =	simm.s32 @!p0 $0x400;
	s22 =	simm.s32 @!p0 $0x7A1400  }
0x11b: {  	[tilespmem:s23], [sflag:$0x2] =	stream.strided.gather @!p0 [hbm4b:s20+s21], $0x2000, s22, s21, $0x38;
	[tilespmem:$0x8000] =	vst v63  }
.LBB2_12:
0x11c: {  	_ =	sfence.sel $0x180000  }
0x11d: {  	[bflag:$0x0] =	sbarrier.arrive $0xFFFF  }
0x11e: {  	p0 =	sne.s32 s0, $0x0;
	_ =	strace $0x90000047  }
0x11f: {  	s0 =	sadd.s32 @!p0 $0x100000, s1;
	[bflag:$0x2] =	sbarrier.arrive $0xFFFF  }
0x120: {  	[sflag:s0] =	ssyncadd.tile.s32 @!p0 $0x1;
	_ =	shalt  }
.Lfunc_end2:
_tile_overlayer_lowered:
.L_overlay_start_2:
0x121: {  	(tag) =	ssettag $0x2  }
0x122: {  	s0 =	rddreg [dreg:$0x0];
	s2 =	stileid.u32  }
0x123: {  	s1 =	rddreg [dreg:$0x1];
	p0 =	sne.s32 s2, $0x0  }
0x124: {  	s3 =	rddreg [dreg:$0x2];
	[bflag:$0x3] =	sbarrier.arrive $0xFFFF;
	s2 =	simm.s32 @!p0 $0x1C05  }
0x125: {  	[timem:s3], [sflag:s2] =	dma.local @!p0 [hbm:s0], s1  }
0x126: {  	s0 =	simm.s32 @!p0 $0x5  }
0x127: {  	_ =	swait.ge @!p0 [sflag:s0], s1  }
0x128: {  	s1 =	ssub.s32 @!p0 $0x0, s1;
	[sflag:s0] =	ssyncset.done @!p0 $0x0  }
0x129: {  	[sflag:s0] =	ssyncadd.s32 @!p0 s1  }
0x12a: {  	[bflag:$0x3] =	sbarrier.arrive $0xFFFF  }
0x12b: {  	_ =	shalt  }

// kernel: kernel.7.cloned.1.call-start
scs
__scs_entry_jumppad:
0x0: {  	(pc) =	sbr.rel $0x88, $3  }
0x1: {  	(tag) =	ssettag $0x0;
	lr =	simm.s32 $0x1  }
0x2: {  	[smem:$0x3F9F] =	sst lr;
	_ =	strace $0xD0000000  }
0x3: {  	_ = 	snop  }
0x4: {  	_ = 	snop  }
0x5: {  	_ = 	snop  }
0x6: {  	_ = 	snop  }
0x7: {  	_ = 	snop  }
__scs_overlays_trampoline_lowered:
0x8: {  	[smem:$0x3FAE] =	sst s0  }
0x9: {  	[smem:$0x3FAF] =	sst s1  }
0xa: {  	[smem:$0x3FB0] =	sst s2  }
0xb: {  	[smem:$0x3FB1] =	sst s3  }
0xc: {  	[smem:$0x3FB2] =	sst s4  }
0xd: {  	[smem:$0x3FB3] =	sst s5  }
0xe: {  	[smem:$0x3FB4] =	sst s6  }
0xf: {  	[smem:$0x3FB5] =	sst s7  }
0x10: {  	[smem:$0x3FB6] =	sst s8  }
0x11: {  	[smem:$0x3FB7] =	sst s9;
	s0 =	simm.s32 @!p0 $0x0  }
0x12: {  	s1 =	sld [smem:$0x3F9D];
	s0 =	simm.s32 @p0 $0x1  }
0x13: {  	[smem:$0x3FB8] =	sst s0;
	s0 =	simm.s32 @!p1 $0x0  }
0x14: {  	s2 =	sld [smem:$0x3F9C];
	s0 =	simm.s32 @p1 $0x1  }
0x15: {  	[smem:$0x3FB9] =	sst s0;
	s0 =	simm.s32 @!p2 $0x0  }
0x16: {  	s3 =	sld [smem:$0x3FDB];
	s0 =	simm.s32 @p2 $0x1  }
0x17: {  	s4 =	simm.s32 $0x1BF5;
	[smem:$0x3FBB] =	sst s0  }
0x18: {  	s0 =	sld [smem:$0x3F9E];
	_ =	swait.ge [sflag:s4], $0x0  }
0x19: {  	s7 =	sld [smem:$0x3F9F]  }
0x1a: {  	s8 =	sadd.s32 $0xFFFFE003, lr  }
0x1b: {  	s9 =	sadd.s32 $0xFFFFFEF7, lr;
	s5 =	simm.s32 $0xFFFFFFFF;
	p2 =	slt.u32 s8, $0xFFFFF086  }
0x1c: {  	p1 =	slt.u32 s9, $0xF7A;
	s5 =	simm.s32 @!p2 $0x0  }
0x1d: {  	s5 =	simm.s32 @p1 $0x1;
	p0 =	seq.s32 s7, s2  }
0x1e: {  	s7 =	smul.u32 @!p0 $0xF7A, s2;
	p2 =	seq.s32 @!p0 s5, $0x0  }
0x1f: {  	s9 =	smul.u32 $0xF7A, s1;
	s8 =	simm.s32 @!p0 $0x1BF5;
	p2 =	por !p2, p0  }
0x20: {  	[sflag:s8] =	ssyncset.s32 @!p0 $0xFFFFF086;
	s6 =	sadd.s32 @!p0 s3, s7;
	s7 =	simm.s32 @!p0 $0x108  }
0x21: {  	s3 =	sadd.s32 s3, s9;
	s6 =	sadd.s32 @!p0 $0x88, s6;
	s7 =	simm.s32 @p2 $0x1082  }
0x22: {  	[simem:s7], [sflag:s8] =	dma.local @!p0 [hbm:s6], $0xF7A  }
0x23: {  	s9 =	sor.u32 $0xD0000000, s2;
	s6 =	simm.s32 $0x108;
	_ =	swait.ge @!p0 [sflag:s8], $0x0  }
0x24: {  	s3 =	sadd.s32 $0x88, s3;
	s6 =	simm.s32 @!p1 $0x1082;
	[sflag:s4] =	ssyncset.s32 $0xFFFFF086  }
0x25: {  	[simem:s6], [sflag:s4] =	dma.local [hbm:s3], $0xF7A  }
0x26: {  	[smem:$0x3F9F] =	sst s1;
	(tag) =	ssettag s2;
	_ =	strace s9  }
0x27: {  	s1 =	sld [smem:$0x3FAF]  }
0x28: {  	s2 =	sld [smem:$0x3FB0]  }
0x29: {  	s4 =	sld [smem:$0x3FB2]  }
0x2a: {  	p0 =	seq.s32 s5, $0x0;
	s5 =	sld [smem:$0x3FB3]  }
0x2b: {  	s6 =	sld [smem:$0x3FB4]  }
0x2c: {  	s7 =	sld [smem:$0x3FB5]  }
0x2d: {  	s3 =	simm.s32 $0x108;
	s8 =	sld [smem:$0x3FB6]  }
0x2e: {  	s3 =	simm.s32 @!p0 $0x1082;
	s9 =	sld [smem:$0x3FB7]  }
0x2f: {  	lr =	sadd.s32 s0, s3;
	s0 =	sld [smem:$0x3FAE]  }
0x30: {  	s3 =	sld [smem:$0x3FB1]  }
0x31: {  	[smem:$0x3FBA] =	sst s10  }
0x32: {  	s10 =	sld [smem:$0x3FB8];
	_ =	sdelay $0x3  }
0x33: {  	p0 =	seq.s32 s10, $0x1;
	s10 =	sld [smem:$0x3FBA];
	_ =	sdelay $0x3  }
0x34: {  	[smem:$0x3FBA] =	sst s10  }
0x35: {  	s10 =	sld [smem:$0x3FB9];
	_ =	sdelay $0x3  }
0x36: {  	p1 =	seq.s32 s10, $0x1;
	s10 =	sld [smem:$0x3FBA];
	_ =	sdelay $0x3  }
0x37: {  	[smem:$0x3FBA] =	sst s10  }
0x38: {  	s10 =	sld [smem:$0x3FBB]  }
0x39: {  	_ = 	snop;
	(pc) =	sbr.ind lr, $3  }
0x3a: {  	_ = 	snop  }
0x3b: {  	_ = 	snop  }
0x3c: {  	p2 =	seq.s32 s10, $0x1;
	s10 =	sld [smem:$0x3FBA]  }
0x3d: {  	_ =	shalt  }
0x3e: {  	_ =	shalt  }
0x3f: {  	_ =	shalt  }
0x40: {  	_ =	shalt  }
0x41: {  	_ =	shalt  }
0x42: {  	_ =	shalt  }
0x43: {  	_ =	shalt  }
0x44: {  	_ =	shalt  }
0x45: {  	_ =	shalt  }
0x46: {  	_ =	shalt  }
0x47: {  	_ =	shalt  }
0x48: {  	_ =	shalt  }
0x49: {  	_ =	shalt  }
0x4a: {  	_ =	shalt  }
0x4b: {  	_ =	shalt  }
0x4c: {  	_ =	shalt  }
0x4d: {  	_ =	shalt  }
0x4e: {  	_ =	shalt  }
0x4f: {  	_ =	shalt  }
0x50: {  	_ =	shalt  }
0x51: {  	_ =	shalt  }
0x52: {  	_ =	shalt  }
0x53: {  	_ =	shalt  }
0x54: {  	_ =	shalt  }
0x55: {  	_ =	shalt  }
0x56: {  	_ =	shalt  }
0x57: {  	_ =	shalt  }
0x58: {  	_ =	shalt  }
0x59: {  	_ =	shalt  }
0x5a: {  	_ =	shalt  }
0x5b: {  	_ =	shalt  }
0x5c: {  	_ =	shalt  }
0x5d: {  	_ =	shalt  }
0x5e: {  	_ =	shalt  }
0x5f: {  	_ =	shalt  }
0x60: {  	_ =	shalt  }
0x61: {  	_ =	shalt  }
0x62: {  	_ =	shalt  }
0x63: {  	_ =	shalt  }
0x64: {  	_ =	shalt  }
0x65: {  	_ =	shalt  }
0x66: {  	_ =	shalt  }
0x67: {  	_ =	shalt  }
0x68: {  	_ =	shalt  }
0x69: {  	_ =	shalt  }
0x6a: {  	_ =	shalt  }
0x6b: {  	_ =	shalt  }
0x6c: {  	_ =	shalt  }
0x6d: {  	_ =	shalt  }
0x6e: {  	_ =	shalt  }
0x6f: {  	_ =	shalt  }
0x70: {  	_ =	shalt  }
0x71: {  	_ =	shalt  }
0x72: {  	_ =	shalt  }
0x73: {  	_ =	shalt  }
0x74: {  	_ =	shalt  }
0x75: {  	_ =	shalt  }
0x76: {  	_ =	shalt  }
0x77: {  	_ =	shalt  }
0x78: {  	_ =	shalt  }
0x79: {  	_ =	shalt  }
0x7a: {  	_ =	shalt  }
0x7b: {  	_ =	shalt  }
0x7c: {  	_ =	shalt  }
0x7d: {  	_ =	shalt  }
0x7e: {  	_ =	shalt  }
0x7f: {  	_ =	shalt  }
0x80: {  	_ =	shalt  }
0x81: {  	_ =	shalt  }
0x82: {  	_ =	shalt  }
0x83: {  	_ =	shalt  }
0x84: {  	_ =	shalt  }
0x85: {  	_ =	shalt  }
0x86: {  	_ =	shalt  }
0x87: {  	_ =	shalt  }
.Lfunc_end0:
.L_simem_size_0:
called_computation.1_lowered:
.L_overlay_start_0:
0x88: {  	s2 =	sld [smem:$0x3FD9]  }
0x89: {  	s3 =	sld [smem:$0x3FFE];
	_ =	sdelay $0x1  }
0x8a: {  	s1 =	srdreg.scid  }
0x8b: {  	s0 =	sand.u32 $0x1, s1  }
0x8c: {  	s17 =	sshll.u32 s0, $0xA;
	s2 =	sadd.s32 s3, s2  }
0x8d: {  	s2 =	sadd.s32 s2, s17  }
0x8e: {  	[smem:$0x3FC6] =	sst s2  }
0x8f: {  	_ = 	snop  }
0x90: {  	s2 =	sld [smem:$0x3FC9]  }
0x91: {  	s18 =	sld [smem:$0x3FD0];
	(tm) =	ssettm $0x1  }
0x92: {  	s4 =	sld [smem:$0x3FFB];
	_ =	sdelay $0x3  }
0x93: {  	_ =	strace s4  }
0x94: {  	s4 =	sld [smem:$0x3FFC];
	_ =	sdelay $0x3  }
0x95: {  	_ =	strace s4  }
0x96: {  	s4 =	sld [smem:$0x3FFD];
	_ =	sdelay $0x3  }
0x97: {  	_ =	strace s4  }
0x98: {  	_ =	strace $0x8FFFFFFF  }
0x99: {  	s19 =	sld [smem:$0x3FDB];
	_ =	sdelay $0x1  }
0x9a: {  	s5 =	simm.s32 $_scs_section_size  }
0x9b: {  	s6 =	simm.s32 $_size__tile_overlayer_lowered;
	s7 =	simm.s32 $_tile_overlayer_lowered  }
0x9c: {  	s22 =	simm.s32 $0x1BFF;
	s21 =	sshll.u32 s7, $0x1;
	s4 =	sadd.s32 s5, s19  }
0x9d: {  	s8 =	simm.s32 $0x0;
	s20 =	sshll.u32 s6, $0x1;
	s6 =	sadd.s32 s21, s4  }
0x9e: {  	[timem:s8], [sflag:s22] =	dma.local [hbm:s6], s20  }
0x9f: {  	_ =	swait.ge [sflag:s22], s20  }
0xa0: {  	s5 =	ssub.s32 $0x0, s20;
	[sflag:s22] =	ssyncset.done $0x0  }
0xa1: {  	[sflag:s22] =	ssyncadd.s32 s5;
	_ =	sdelay $0x1  }
0xa2: {  	s23 =	simm.s32 $0x1B8B  }
0xa3: {  	_ =	swait.ge [sflag:s23], $0x1  }
0xa4: {  	[sflag:s23] =	ssyncset.done $0x0  }
0xa5: {  	s25 =	simm.s32 $0x1B8E;
	s24 =	sld [smem:$0x3FFE];
	[sflag:s23] =	ssyncadd.s32 $0xFFFFFFFF  }
0xa6: {  	s26 =	simm.s32 $execute0_lowered;
	[smem:$0x3FD2] =	sst s25  }
0xa7: {  	s6 =	sshll.u32 s26, $0x1;
	_ =	strace $0x80000049;
	[dreg:$0x1] =	wrdreg $0xFFFFFFFF  }
0xa8: {  	s28 =	simm.s32 $_size_execute0_lowered;
	s4 =	sadd.s32 s4, s6;
	[dreg:$0x0] =	wrdreg $0x0  }
0xa9: {  	s6 =	sshll.u32 s28, $0x1;
	[dreg:$0x2] =	wrdreg s4  }
0xaa: {  	[dreg:$0x3] =	wrdreg s6  }
0xab: {  	[dreg:$0x4] =	wrdreg $0xC0  }
0xac: {  	_ =	task [dreg:s8], $0x5FFFF  }
0xad: {  	[dreg:$0x1] =	wrdreg $0xFFFFFFFF  }
0xae: {  	[dreg:$0x0] =	wrdreg $0x60  }
0xaf: {  	[dreg:$0x2] =	wrdreg s2  }
0xb0: {  	[dreg:$0x3] =	wrdreg s24  }
0xb1: {  	[dreg:$0x4] =	wrdreg s18  }
0xb2: {  	[dreg:$0x5] =	wrdreg $0x9  }
0xb3: {  	_ =	task.clear_ibuf [dreg:s8], $0x6FFFF;
	_ =	strace $0x90000049  }
0xb4: {  	s29 =	simm.s32 $0x9;
	_ =	strace $0x8000004B  }
0xb5: {  	_ =	swait.ge [sflag:s29], $0x1  }
0xb6: {  	[sflag:s29] =	ssyncadd.s32 $0xFFFFFFFF  }
0xb7: {  	_ =	strace $0x9000004B  }
0xb8: {  	_ =	sfence  }
0xb9: {  	s30 =	sld [smem:$0x0];
	_ =	sdelay $0x2  }
0xba: {  	s31 =	sshll.u32 s1, $0xD;
	s1 =	sshrl.u32 s1, $0x2  }
0xbb: {  	s3 =	sand.u32 $0x4000, s31;
	s1 =	sadd.s32 s1, s30  }
0xbc: {  	s0 =	sor.u32 s3, s0;
	s1 =	sshll.u32 s1, $0x11  }
0xbd: {  	s0 =	sor.u32 s1, s0  }
0xbe: {  	s0 =	sadd.s32 $0x8F2B, s0  }
0xbf: {  	[sflag:s0] =	ssyncadd.remote.s32 $0x1  }
0xc0: {  	_ =	sfence.sel $0xFFFF  }
0xc1: {  	[dreg:$0x0] =	wrdreg $0xFFFFFFFF;
	(pc) =	sbr.abs _section_cstart, $3  }
0xc2: {  	[dreg:$0x1] =	wrdreg $0xFFFFFFFF  }
0xc3: {  	_ =	task.clear_ibuf [dreg:s8], $0x2FFFF;
	_ =	strace $0x9FFFFFFF  }
0xc4: {  	(tm) =	ssettm $0x7FFFFFFF  }
0xc5: {  	_ =	shalt  }
tec
execute0_lowered:
.L_overlay_start_1:
0x0: {  	(tag) =	ssettag $0x1  }
0x1: {  	s0 =	rddreg [dreg:$0x0]  }
0x2: {  	s6 =	rddreg [dreg:$0x1]  }
0x3: {  	s1 =	rddreg [dreg:$0x2];
	s3 =	simm.s32 $0x0  }
0x4: {  	s4 =	srdreg.scid;
	s2 =	stileid.u32;
	s10 =	simm.s32 $0x8000  }
0x5: {  	s11 =	simm.s32 $0x5;
	s12 =	simm.s32 $0x6400;
	s13 =	simm.s32 $0x80  }
0x6: {  	s14 =	simm.s32 $0x9600;
	s15 =	simm.s32 $0x9800;
	s16 =	simm.s32 $0x9680  }
0x7: {  	s17 =	simm.s32 $0xD800;
	s18 =	simm.s32 $0x1;
	s19 =	simm.s32 $0x11800  }
0x8: {  	s20 =	simm.s32 $0x2;
	s21 =	simm.s32 $0x13800;
	s22 =	simm.s32 $0x3  }
0x9: {  	v0 =	vlaneseq.u32;
	s23 =	simm.s32 $0x4;
	s24 =	simm.s32 $0x0;
	[smem:$0x7FF] =	sst s3  }
.Ltmp0:
0xa: {  	s4 =	sand.u32 $0x1, s4;
	s5 =	sshll.u32 s2, $0xB;
	v0 =	vmul.u32 $0x80, v0;
	(pc) =	sbr.rel .LBB2_1-.Ltmp0, $4  }
0xb: {  	_ =	strace $0x8000004A;
	s7 =	ssub.s32 $0x2, s4;
	s8 =	sshll.u32 s4, $0xA  }
0xc: {  	s4 =	sadd.s32 $0xA00, s6;
	s9 =	sshrl.u32 s7, $0x1;
	s5 =	sor.u32 s8, s5;
	v1 =	vor.u32 $0x800, v0  }
0xd: {  	s6 =	sadd.s32 $0x7A1E00, s6;
	v2 =	vor.u32 $0x1000, v0;
	v3 =	vor.u32 $0x1800, v0;
	v4 =	vor.u32 $0x2000, v0;
	s30 =	ssub.s32 s7, s9;
	s31 =	sshrl.u32 s5, $0x3  }
0xe: {  	v5 =	vor.u32 $0x2800, v0;
	v6 =	vor.u32 $0x3000, v0;
	v7 =	vor.u32 $0x3800, v0;
	s9 =	simm.s32 $0x400;
	s7 =	sadd.s32 s0, s31;
	s8 =	smax.u32 s30, $0x1  }
.LBB2_8:
0xf: {  	s24 =	sadd.s32 $0x1, s24  }
0x10: {  	_ =	swait.ge [sflag:s22], $0x2000;
	p0 =	sne.s32 s24, s8  }
.Ltmp1:
0x11: {  	[sflag:s22] =	ssyncset.done $0x0;
	(pc) =	sbr.rel @!p0 .LBB2_9-.Ltmp1, $4  }
0x12: {  	[sflag:s22] =	ssyncadd.s32 $0xFFFFE000  }
0x13: {  	_ =	swait.ge [sflag:s23], $0x2000  }
0x14: {  	[sflag:s23] =	ssyncset.done $0x0  }
0x15: {  	[sflag:s23] =	ssyncadd.s32 $0xFFFFE000  }
.LBB2_1:
0x16: {  	[tilespmem:s3], [sflag:$0x5] =	stream.strided.gather [hbm4b:s7+s9], $0x6400, s10, s9, $0x38;
	[tilespmem:$0x15800] =	vst v63  }
0x17: {  	_ =	swait.ge [sflag:s11], $0x6400  }
0x18: {  	[sflag:s11] =	ssyncset.done $0x0  }
0x19: {  	[sflag:s11] =	ssyncadd.s32 $0xFFFF9C00  }
0x1a: {  	[tilespmem:s12], [sflag:$0x5] =	stream.linear.gather [hbm4b:s6+s3], $0x3200, $0x38;
	[tilespmem:$0x15800] =	vst v63  }
0x1b: {  	_ =	swait.ge [sflag:s11], $0x3200  }
0x1c: {  	[sflag:s11] =	ssyncset.done $0x0  }
0x1d: {  	[sflag:s11] =	ssyncadd.s32 $0xFFFFCE00  }
0x1e: {  	v8 =	vld [tilespmem:$0x0];
	_ =	sdelay $0x1  }
0x1f: {  	v9 =	vld [tilespmem:$0x10];
	_ =	sdelay $0x1  }
0x20: {  	v10 =	vld [tilespmem:$0x20]  }
0x21: {  	v11 =	vshrl.u32 v8, $0x1;
	v8 =	vshll.u32 v8, $0x6  }
0x22: {  	v49 =	vld [tilespmem:$0x30];
	[tilespmem:$0x9600] =	vst v11;
	v8 =	vand.u32 $0x40, v8  }
0x23: {  	[tilespmem:$0x9700] =	vst v8;
	v8 =	vshrl.u32 v9, $0x1;
	v9 =	vshll.u32 v9, $0x6  }
0x24: {  	v50 =	vld [tilespmem:$0x40];
	[tilespmem:$0x9610] =	vst v8;
	v8 =	vand.u32 $0x40, v9  }
0x25: {  	[tilespmem:$0x9710] =	vst v8;
	v8 =	vshrl.u32 v10, $0x1;
	v10 =	vshll.u32 v10, $0x6  }
0x26: {  	v51 =	vld [tilespmem:$0x50];
	[tilespmem:$0x9620] =	vst v8;
	v8 =	vand.u32 $0x40, v10  }
0x27: {  	v11 =	vshll.u32 v49, $0x6;
	[tilespmem:$0x9720] =	vst v8;
	v8 =	vshrl.u32 v49, $0x1  }
0x28: {  	v52 =	vld [tilespmem:$0x60];
	[tilespmem:$0x9630] =	vst v8;
	v8 =	vand.u32 $0x40, v11  }
0x29: {  	v9 =	vshll.u32 v50, $0x6;
	[tilespmem:$0x9730] =	vst v8;
	v8 =	vshrl.u32 v50, $0x1  }
0x2a: {  	v53 =	vld [tilespmem:$0x70];
	[tilespmem:$0x9640] =	vst v8;
	v8 =	vand.u32 $0x40, v9  }
0x2b: {  	v10 =	vshll.u32 v51, $0x6;
	[tilespmem:$0x9740] =	vst v8;
	v8 =	vshrl.u32 v51, $0x1  }
0x2c: {  	[tilespmem:$0x9650] =	vst v8;
	v8 =	vand.u32 $0x40, v10  }
0x2d: {  	v54 =	vshll.u32 v52, $0x6;
	[tilespmem:$0x9750] =	vst v8;
	v8 =	vshrl.u32 v52, $0x1  }
0x2e: {  	[tilespmem:$0x9660] =	vst v8;
	v8 =	vand.u32 $0x40, v54  }
0x2f: {  	v9 =	vshll.u32 v53, $0x6;
	[tilespmem:$0x9760] =	vst v8;
	v8 =	vshrl.u32 v53, $0x1  }
0x30: {  	[tilespmem:$0x9670] =	vst v8;
	v8 =	vand.u32 $0x40, v9  }
0x31: {  	[tilespmem:$0x9770] =	vst v8  }
0x32: {  	[tilespmem:s15], [sflag:$0x1] =	stream.indirect.gather [hbm4b:s4+s13], $0x80, s14, s13, $0xb8;
	[tilespmem:$0x15800] =	vst v63  }
0x33: {  	v8 =	vld [tilespmem:$0x80];
	_ =	sdelay $0x1  }
0x34: {  	v55 =	vld [tilespmem:$0x90];
	_ =	sdelay $0x1  }
0x35: {  	v56 =	vld [tilespmem:$0xA0]  }
0x36: {  	v57 =	vshrl.u32 v8, $0x1;
	v8 =	vshll.u32 v8, $0x6  }
0x37: {  	v58 =	vld [tilespmem:$0xB0];
	[tilespmem:$0x9680] =	vst v57;
	v8 =	vand.u32 $0x40, v8  }
0x38: {  	v9 =	vshll.u32 v55, $0x6;
	[tilespmem:$0x9780] =	vst v8;
	v8 =	vshrl.u32 v55, $0x1  }
0x39: {  	v59 =	vld [tilespmem:$0xC0];
	[tilespmem:$0x9690] =	vst v8;
	v8 =	vand.u32 $0x40, v9  }
0x3a: {  	v10 =	vshll.u32 v56, $0x6;
	[tilespmem:$0x9790] =	vst v8;
	v8 =	vshrl.u32 v56, $0x1  }
0x3b: {  	v60 =	vld [tilespmem:$0xD0];
	[tilespmem:$0x96A0] =	vst v8;
	v8 =	vand.u32 $0x40, v10  }
0x3c: {  	v11 =	vshll.u32 v58, $0x6;
	[tilespmem:$0x97A0] =	vst v8;
	v8 =	vshrl.u32 v58, $0x1  }
0x3d: {  	v61 =	vld [tilespmem:$0xE0];
	[tilespmem:$0x96B0] =	vst v8;
	v8 =	vand.u32 $0x40, v11  }
0x3e: {  	v9 =	vshll.u32 v59, $0x6;
	[tilespmem:$0x97B0] =	vst v8;
	v8 =	vshrl.u32 v59, $0x1  }
0x3f: {  	v62 =	vld [tilespmem:$0xF0];
	[tilespmem:$0x96C0] =	vst v8;
	v8 =	vand.u32 $0x40, v9  }
0x40: {  	v10 =	vshll.u32 v60, $0x6;
	[tilespmem:$0x97C0] =	vst v8;
	v8 =	vshrl.u32 v60, $0x1  }
0x41: {  	[tilespmem:$0x96D0] =	vst v8;
	v8 =	vand.u32 $0x40, v10  }
0x42: {  	v63 =	vshll.u32 v61, $0x6;
	[tilespmem:$0x97D0] =	vst v8;
	v8 =	vshrl.u32 v61, $0x1  }
0x43: {  	[tilespmem:$0x96E0] =	vst v8;
	v8 =	vand.u32 $0x40, v63  }
0x44: {  	v9 =	vshll.u32 v62, $0x6;
	[tilespmem:$0x97E0] =	vst v8;
	v8 =	vshrl.u32 v62, $0x1  }
0x45: {  	[tilespmem:$0x96F0] =	vst v8;
	v8 =	vand.u32 $0x40, v9  }
0x46: {  	s25 =	simm.s32 $0x40;
	s26 =	simm.s32 $0x0;
	s28 =	simm.s32 $0x0;
	[tilespmem:$0x97F0] =	vst v8  }
0x47: {  	[tilespmem:s17], [sflag:$0x2] =	stream.indirect.gather [hbm4b:s4+s13], $0x80, s16, s13, $0xb8;
	[tilespmem:$0x15800] =	vst v63  }
.LBB2_2:
0x48: {  	_ =	swait.ge [sflag:s18], $0x4000  }
0x49: {  	p0 =	seq.s32 s28, $0x0;
	[sflag:s18] =	ssyncset.done $0x0  }
0x4a: {  	s0 =	simm.s32 @!p0 $0x3;
	[sflag:s18] =	ssyncadd.s32 $0xFFFFC000  }
0x4b: {  	_ =	swait.ge @!p0 [sflag:s0], $0x2000  }
0x4c: {  	[sflag:s0] =	ssyncset.done @!p0 $0x0  }
0x4d: {  	[sflag:s0] =	ssyncadd.s32 @!p0 $0xFFFFE000  }
0x4e: {  	v15 =	vld [tilespmem:$0x9700];
	_ =	sdelay $0x3  }
0x4f: {  	s2 =	simm.s32 $0x0;
	s29 =	sadd.s32 $0x0, s26  }
0x50: {  	v8 =	vmov s29;
	v9 =	vadd.s32 s2, v15  }
0x51: {  	v9 =	vadd.s32 v0, v9;
	_ =	sdelay $0x1  }
0x52: {  	v14 =	vld [tilespmem:$0x9710];
	_ =	sdelay $0x1  }
0x53: {  	v16 =	vld.idx.msk [tilespmem:v8+s12+$0x0], $0xffff  }
0x54: {  	v8 =	vld.idx.msk [tilespmem:v9+s15+$0x0], $0xffff;
	_ =	sdelay $0x1  }
0x55: {  	v13 =	vld [tilespmem:$0x9720];
	v9 =	vadd.s32 s2, v14  }
0x56: {  	v12 =	vld [tilespmem:$0x9730];
	v17 =	vadd.s32 v1, v9  }
0x57: {  	v11 =	vld [tilespmem:$0x9740]  }
0x58: {  	v10 =	vld [tilespmem:$0x9750];
	v18 =	vadd.f32 v8, v16  }
0x59: {  	s30 =	simm.s32 $0x11840;
	v9 =	vld [tilespmem:$0x9760]  }
0x5a: {  	v8 =	vld [tilespmem:$0x9770];
	[tilespmem:s30+$0xFFFFFFC0] =	vst v18  }
0x5b: {  	v17 =	vld.idx.msk [tilespmem:v17+s15+$0x0], $0xffff;
	_ =	sdelay $0x1  }
0x5c: {  	v18 =	vadd.s32 s2, v13  }
0x5d: {  	v18 =	vadd.s32 v2, v18;
	_ =	sdelay $0x1  }
0x5e: {  	v17 =	vadd.f32 v17, v16;
	_ =	sdelay $0x1  }
0x5f: {  	[tilespmem:s30+$0xFFFFFFD0] =	vst v17  }
0x60: {  	v17 =	vld.idx.msk [tilespmem:v18+s15+$0x0], $0xffff;
	_ =	sdelay $0x1  }
0x61: {  	v18 =	vadd.s32 s2, v12  }
0x62: {  	v18 =	vadd.s32 v3, v18;
	_ =	sdelay $0x1  }
0x63: {  	v17 =	vadd.f32 v17, v16;
	_ =	sdelay $0x1  }
0x64: {  	[tilespmem:s30+$0xFFFFFFE0] =	vst v17  }
0x65: {  	v17 =	vld.idx.msk [tilespmem:v18+s15+$0x0], $0xffff;
	_ =	sdelay $0x1  }
0x66: {  	v18 =	vadd.s32 s2, v11  }
0x67: {  	v18 =	vadd.s32 v4, v18;
	_ =	sdelay $0x1  }
0x68: {  	v17 =	vadd.f32 v17, v16;
	_ =	sdelay $0x1  }
0x69: {  	[tilespmem:s30+$0xFFFFFFF0] =	vst v17  }
0x6a: {  	v17 =	vld.idx.msk [tilespmem:v18+s15+$0x0], $0xffff;
	_ =	sdelay $0x1  }
0x6b: {  	v18 =	vadd.s32 s2, v10  }
0x6c: {  	v18 =	vadd.s32 v5, v18;
	_ =	sdelay $0x1  }
0x6d: {  	v17 =	vadd.f32 v17, v16;
	_ =	sdelay $0x1  }
0x6e: {  	[tilespmem:s30+$0x0] =	vst v17  }
0x6f: {  	v17 =	vld.idx.msk [tilespmem:v18+s15+$0x0], $0xffff;
	_ =	sdelay $0x1  }
0x70: {  	v18 =	vadd.s32 s2, v9  }
0x71: {  	v18 =	vadd.s32 v6, v18;
	_ =	sdelay $0x1  }
0x72: {  	v17 =	vadd.f32 v17, v16;
	_ =	sdelay $0x1  }
0x73: {  	[tilespmem:s30+$0x10] =	vst v17  }
0x74: {  	v17 =	vld.idx.msk [tilespmem:v18+s15+$0x0], $0xffff;
	_ =	sdelay $0x1  }
0x75: {  	v18 =	vadd.s32 s2, v8  }
0x76: {  	v18 =	vadd.s32 v7, v18;
	_ =	sdelay $0x1  }
0x77: {  	v17 =	vadd.f32 v17, v16;
	_ =	sdelay $0x1  }
0x78: {  	[tilespmem:s30+$0x20] =	vst v17  }
0x79: {  	v17 =	vld.idx.msk [tilespmem:v18+s15+$0x0], $0xffff;
	_ =	sdelay $0x1  }
0x7a: {  	s31 =	simm.s32 $0x1;
	s2 =	sadd.s32 $0x1, s26  }
0x7b: {  	s29 =	sshll.u32 s28, $0x1;
	s0 =	simm.s32 $0x2;
	v19 =	vadd.s32 s31, v15;
	v18 =	vmov s2  }
.LBB2_3:
0x7c: {  	p1 =	sne.s32 s0, $0x3F;
	v19 =	vadd.s32 v0, v19  }
0x7d: {  	v16 =	vadd.f32 v17, v16;
	_ =	sdelay $0x1  }
0x7e: {  	[tilespmem:s30+$0x30] =	vst v16  }
0x7f: {  	v16 =	vld.idx.msk [tilespmem:v18+s12+$0x0], $0xffff  }
0x80: {  	v17 =	vld.idx.msk [tilespmem:v19+s15+$0x0], $0xffff;
	_ =	sdelay $0x2  }
0x81: {  	v18 =	vadd.s32 s31, v14  }
0x82: {  	v18 =	vadd.s32 v1, v18;
	_ =	sdelay $0x1  }
0x83: {  	v17 =	vadd.f32 v17, v16  }
0x84: {  	s30 =	sadd.s32 $0x80, s30  }
0x85: {  	[tilespmem:s30+$0xFFFFFFC0] =	vst v17  }
0x86: {  	v17 =	vld.idx.msk [tilespmem:v18+s15+$0x0], $0xffff;
	_ =	sdelay $0x2  }
0x87: {  	v18 =	vadd.s32 s31, v13  }
0x88: {  	v18 =	vadd.s32 v2, v18;
	_ =	sdelay $0x1  }
0x89: {  	v17 =	vadd.f32 v17, v16;
	_ =	sdelay $0x1  }
0x8a: {  	[tilespmem:s30+$0xFFFFFFD0] =	vst v17  }
0x8b: {  	v17 =	vld.idx.msk [tilespmem:v18+s15+$0x0], $0xffff;
	_ =	sdelay $0x2  }
0x8c: {  	v18 =	vadd.s32 s31, v12  }
0x8d: {  	v18 =	vadd.s32 v3, v18;
	_ =	sdelay $0x1  }
0x8e: {  	v17 =	vadd.f32 v17, v16;
	_ =	sdelay $0x1  }
0x8f: {  	[tilespmem:s30+$0xFFFFFFE0] =	vst v17  }
0x90: {  	v17 =	vld.idx.msk [tilespmem:v18+s15+$0x0], $0xffff;
	_ =	sdelay $0x2  }
0x91: {  	v18 =	vadd.s32 s31, v11  }
0x92: {  	v18 =	vadd.s32 v4, v18;
	_ =	sdelay $0x1  }
0x93: {  	v17 =	vadd.f32 v17, v16;
	_ =	sdelay $0x1  }
0x94: {  	[tilespmem:s30+$0xFFFFFFF0] =	vst v17  }
0x95: {  	v17 =	vld.idx.msk [tilespmem:v18+s15+$0x0], $0xffff;
	_ =	sdelay $0x2  }
0x96: {  	v18 =	vadd.s32 s31, v10  }
0x97: {  	v18 =	vadd.s32 v5, v18;
	_ =	sdelay $0x1  }
0x98: {  	v17 =	vadd.f32 v17, v16;
	_ =	sdelay $0x1  }
0x99: {  	[tilespmem:s30+$0x0] =	vst v17  }
0x9a: {  	v17 =	vld.idx.msk [tilespmem:v18+s15+$0x0], $0xffff;
	_ =	sdelay $0x2  }
0x9b: {  	v18 =	vadd.s32 s31, v9  }
0x9c: {  	v18 =	vadd.s32 v6, v18;
	_ =	sdelay $0x1  }
0x9d: {  	v17 =	vadd.f32 v17, v16;
	_ =	sdelay $0x1  }
0x9e: {  	[tilespmem:s30+$0x10] =	vst v17  }
0x9f: {  	v17 =	vld.idx.msk [tilespmem:v18+s15+$0x0], $0xffff;
	_ =	sdelay $0x2  }
0xa0: {  	v18 =	vadd.s32 s31, v8;
	s31 =	smov.u32 s0  }
0xa1: {  	v18 =	vadd.s32 v7, v18;
	_ =	sdelay $0x1  }
0xa2: {  	v17 =	vadd.f32 v17, v16;
	_ =	sdelay $0x1  }
0xa3: {  	[tilespmem:s30+$0x20] =	vst v17  }
.Ltmp2:
0xa4: {  	v17 =	vld.idx.msk [tilespmem:v18+s15+$0x0], $0xffff;
	(pc) =	sbr.rel @p1 .LBB2_3-.Ltmp2, $3  }
0xa5: {  	_ =	sdelay $0x1  }
0xa6: {  	s2 =	sadd.s32 s0, s26  }
0xa7: {  	s0 =	sadd.s32 $0x1, s0;
	v19 =	vadd.s32 s31, v15;
	v18 =	vmov s2  }
0xa8: {  	v15 =	vadd.s32 v0, v19  }
0xa9: {  	v16 =	vadd.f32 v17, v16;
	_ =	sdelay $0x1  }
0xaa: {  	[tilespmem:s30+$0x30] =	vst v16  }
0xab: {  	v16 =	vld.idx.msk [tilespmem:v18+s12+$0x0], $0xffff  }
0xac: {  	v15 =	vld.idx.msk [tilespmem:v15+s15+$0x0], $0xffff;
	_ =	sdelay $0x1  }
0xad: {  	v14 =	vadd.s32 s31, v14  }
0xae: {  	v14 =	vadd.s32 v1, v14;
	_ =	sdelay $0x1  }
0xaf: {  	v15 =	vadd.f32 v15, v16  }
0xb0: {  	s0 =	sadd.s32 $0x80, s30  }
0xb1: {  	[tilespmem:s0+$0xFFFFFFC0] =	vst v15  }
0xb2: {  	v14 =	vld.idx.msk [tilespmem:v14+s15+$0x0], $0xffff;
	_ =	sdelay $0x1  }
0xb3: {  	v13 =	vadd.s32 s31, v13  }
0xb4: {  	v13 =	vadd.s32 v2, v13;
	_ =	sdelay $0x1  }
0xb5: {  	v14 =	vadd.f32 v14, v16;
	_ =	sdelay $0x1  }
0xb6: {  	[tilespmem:s0+$0xFFFFFFD0] =	vst v14  }
0xb7: {  	v13 =	vld.idx.msk [tilespmem:v13+s15+$0x0], $0xffff;
	_ =	sdelay $0x1  }
0xb8: {  	v12 =	vadd.s32 s31, v12  }
0xb9: {  	v12 =	vadd.s32 v3, v12;
	_ =	sdelay $0x1  }
0xba: {  	v13 =	vadd.f32 v13, v16;
	_ =	sdelay $0x1  }
0xbb: {  	[tilespmem:s0+$0xFFFFFFE0] =	vst v13  }
0xbc: {  	v12 =	vld.idx.msk [tilespmem:v12+s15+$0x0], $0xffff;
	_ =	sdelay $0x1  }
0xbd: {  	v11 =	vadd.s32 s31, v11  }
0xbe: {  	v11 =	vadd.s32 v4, v11;
	_ =	sdelay $0x1  }
0xbf: {  	v12 =	vadd.f32 v12, v16;
	_ =	sdelay $0x1  }
0xc0: {  	[tilespmem:s0+$0xFFFFFFF0] =	vst v12  }
0xc1: {  	v11 =	vld.idx.msk [tilespmem:v11+s15+$0x0], $0xffff;
	_ =	sdelay $0x1  }
0xc2: {  	v10 =	vadd.s32 s31, v10  }
0xc3: {  	v10 =	vadd.s32 v5, v10;
	_ =	sdelay $0x1  }
0xc4: {  	v11 =	vadd.f32 v11, v16;
	_ =	sdelay $0x1  }
0xc5: {  	[tilespmem:s0+$0x0] =	vst v11  }
0xc6: {  	v10 =	vld.idx.msk [tilespmem:v10+s15+$0x0], $0xffff;
	_ =	sdelay $0x1  }
0xc7: {  	v9 =	vadd.s32 s31, v9  }
0xc8: {  	v9 =	vadd.s32 v6, v9;
	_ =	sdelay $0x1  }
0xc9: {  	v10 =	vadd.f32 v10, v16;
	_ =	sdelay $0x1  }
0xca: {  	[tilespmem:s0+$0x10] =	vst v10  }
0xcb: {  	v9 =	vld.idx.msk [tilespmem:v9+s15+$0x0], $0xffff;
	_ =	sdelay $0x1  }
0xcc: {  	v8 =	vadd.s32 s31, v8  }
0xcd: {  	v8 =	vadd.s32 v7, v8;
	_ =	sdelay $0x1  }
0xce: {  	v9 =	vadd.f32 v9, v16;
	_ =	sdelay $0x1  }
0xcf: {  	[tilespmem:s0+$0x20] =	vst v9  }
0xd0: {  	v8 =	vld.idx.msk [tilespmem:v8+s15+$0x0], $0xffff;
	_ =	sdelay $0x3  }
0xd1: {  	s2 =	sshll.u32 s28, $0x13  }
0xd2: {  	s2 =	sor.u32 s5, s2;
	v8 =	vadd.f32 v8, v16  }
0xd3: {  	p1 =	seq.s32 s28, $0x63;
	s2 =	sshrl.u32 s2, $0x3  }
0xd4: {  	s2 =	sadd.s32 s1, s2;
	[tilespmem:s0+$0x30] =	vst v8;
	s0 =	sshll.u32 @!p1 s28, $0x8  }
0xd5: {  	[hbm4b:s2+s9] =	stream.strided.scatter [tilespmem:s19], [sflag:$0x3], $0x2000, s10, s9, $0x38;
	[tilespmem:$0x15800] =	vst v63  }
0xd6: {  	s0 =	sand.u32 @!p1 $0x3FFFFF00, s0  }
0xd7: {  	v8 =	vld @!p1 [tilespmem:s0+$0x100];
	_ =	sdelay $0x4  }
0xd8: {  	v9 =	vshrl.u32 @!p1 v8, $0x1;
	v8 =	vshll.u32 @!p1 v8, $0x6  }
0xd9: {  	[tilespmem:$0x9600] =	vst @!p1 v9;
	v8 =	vand.u32 @!p1 $0x40, v8  }
0xda: {  	[tilespmem:$0x9700] =	vst @!p1 v8  }
0xdb: {  	v8 =	vld @!p1 [tilespmem:s0+$0x110];
	_ =	sdelay $0x4  }
0xdc: {  	v9 =	vshrl.u32 @!p1 v8, $0x1;
	v8 =	vshll.u32 @!p1 v8, $0x6  }
0xdd: {  	[tilespmem:$0x9610] =	vst @!p1 v9;
	v8 =	vand.u32 @!p1 $0x40, v8  }
0xde: {  	[tilespmem:$0x9710] =	vst @!p1 v8  }
0xdf: {  	v8 =	vld @!p1 [tilespmem:s0+$0x120];
	_ =	sdelay $0x4  }
0xe0: {  	v9 =	vshrl.u32 @!p1 v8, $0x1;
	v8 =	vshll.u32 @!p1 v8, $0x6  }
0xe1: {  	[tilespmem:$0x9620] =	vst @!p1 v9;
	v8 =	vand.u32 @!p1 $0x40, v8  }
0xe2: {  	[tilespmem:$0x9720] =	vst @!p1 v8  }
0xe3: {  	v8 =	vld @!p1 [tilespmem:s0+$0x130];
	_ =	sdelay $0x4  }
0xe4: {  	v9 =	vshrl.u32 @!p1 v8, $0x1;
	v8 =	vshll.u32 @!p1 v8, $0x6  }
0xe5: {  	[tilespmem:$0x9630] =	vst @!p1 v9;
	v8 =	vand.u32 @!p1 $0x40, v8  }
0xe6: {  	[tilespmem:$0x9730] =	vst @!p1 v8  }
0xe7: {  	v8 =	vld @!p1 [tilespmem:s0+$0x140];
	_ =	sdelay $0x4  }
0xe8: {  	v9 =	vshrl.u32 @!p1 v8, $0x1;
	v8 =	vshll.u32 @!p1 v8, $0x6  }
0xe9: {  	[tilespmem:$0x9640] =	vst @!p1 v9;
	v8 =	vand.u32 @!p1 $0x40, v8  }
0xea: {  	[tilespmem:$0x9740] =	vst @!p1 v8  }
0xeb: {  	v8 =	vld @!p1 [tilespmem:s0+$0x150];
	_ =	sdelay $0x4  }
0xec: {  	v9 =	vshrl.u32 @!p1 v8, $0x1;
	v8 =	vshll.u32 @!p1 v8, $0x6  }
0xed: {  	[tilespmem:$0x9650] =	vst @!p1 v9;
	v8 =	vand.u32 @!p1 $0x40, v8  }
0xee: {  	[tilespmem:$0x9750] =	vst @!p1 v8  }
0xef: {  	v8 =	vld @!p1 [tilespmem:s0+$0x160];
	_ =	sdelay $0x4  }
0xf0: {  	v9 =	vshrl.u32 @!p1 v8, $0x1;
	v8 =	vshll.u32 @!p1 v8, $0x6  }
0xf1: {  	[tilespmem:$0x9660] =	vst @!p1 v9;
	v8 =	vand.u32 @!p1 $0x40, v8  }
0xf2: {  	[tilespmem:$0x9760] =	vst @!p1 v8  }
0xf3: {  	v8 =	vld @!p1 [tilespmem:s0+$0x170];
	_ =	sdelay $0x4  }
0xf4: {  	v9 =	vshrl.u32 @!p1 v8, $0x1;
	v8 =	vshll.u32 @!p1 v8, $0x6  }
0xf5: {  	[tilespmem:$0x9670] =	vst @!p1 v9;
	v8 =	vand.u32 @!p1 $0x40, v8  }
0xf6: {  	s30 =	simm.s32 @!p1 $0x9800;
	s2 =	simm.s32 @!p1 $0x9600;
	s0 =	simm.s32 @!p1 $0x80;
	[tilespmem:$0x9770] =	vst @!p1 v8  }
0xf7: {  	[tilespmem:s30], [sflag:$0x1] =	stream.indirect.gather @!p1 [hbm4b:s4+s0], $0x80, s2, s0, $0xb8;
	[tilespmem:$0x15800] =	vst v63  }
0xf8: {  	_ =	swait.ge [sflag:s20], $0x4000  }
0xf9: {  	[sflag:s20] =	ssyncset.done $0x0  }
0xfa: {  	s0 =	simm.s32 @!p0 $0x4;
	[sflag:s20] =	ssyncadd.s32 $0xFFFFC000  }
0xfb: {  	_ =	swait.ge @!p0 [sflag:s0], $0x2000  }
0xfc: {  	[sflag:s0] =	ssyncset.done @!p0 $0x0  }
0xfd: {  	[sflag:s0] =	ssyncadd.s32 @!p0 $0xFFFFE000  }
0xfe: {  	v15 =	vld [tilespmem:$0x9780];
	_ =	sdelay $0x3  }
0xff: {  	s2 =	sadd.s32 $0x0, s25;
	s0 =	simm.s32 $0x0  }
0x100: {  	v8 =	vmov s2;
	v9 =	vadd.s32 s0, v15  }
0x101: {  	v9 =	vadd.s32 v0, v9;
	_ =	sdelay $0x1  }
0x102: {  	v14 =	vld [tilespmem:$0x9790];
	_ =	sdelay $0x1  }
0x103: {  	v16 =	vld.idx.msk [tilespmem:v8+s12+$0x0], $0xffff  }
0x104: {  	v8 =	vld.idx.msk [tilespmem:v9+s17+$0x0], $0xffff;
	_ =	sdelay $0x1  }
0x105: {  	v13 =	vld [tilespmem:$0x97A0];
	v9 =	vadd.s32 s0, v14  }
0x106: {  	v12 =	vld [tilespmem:$0x97B0];
	v17 =	vadd.s32 v1, v9  }
0x107: {  	v11 =	vld [tilespmem:$0x97C0]  }
0x108: {  	v10 =	vld [tilespmem:$0x97D0];
	v18 =	vadd.f32 v8, v16  }
0x109: {  	s30 =	simm.s32 $0x13840;
	v9 =	vld [tilespmem:$0x97E0]  }
0x10a: {  	v8 =	vld [tilespmem:$0x97F0];
	[tilespmem:s30+$0xFFFFFFC0] =	vst v18  }
0x10b: {  	v17 =	vld.idx.msk [tilespmem:v17+s17+$0x0], $0xffff;
	_ =	sdelay $0x1  }
0x10c: {  	v18 =	vadd.s32 s0, v13  }
0x10d: {  	v18 =	vadd.s32 v2, v18;
	_ =	sdelay $0x1  }
0x10e: {  	v17 =	vadd.f32 v17, v16;
	_ =	sdelay $0x1  }
0x10f: {  	[tilespmem:s30+$0xFFFFFFD0] =	vst v17  }
0x110: {  	v17 =	vld.idx.msk [tilespmem:v18+s17+$0x0], $0xffff;
	_ =	sdelay $0x1  }
0x111: {  	v18 =	vadd.s32 s0, v12  }
0x112: {  	v18 =	vadd.s32 v3, v18;
	_ =	sdelay $0x1  }
0x113: {  	v17 =	vadd.f32 v17, v16;
	_ =	sdelay $0x1  }
0x114: {  	[tilespmem:s30+$0xFFFFFFE0] =	vst v17  }
0x115: {  	v17 =	vld.idx.msk [tilespmem:v18+s17+$0x0], $0xffff;
	_ =	sdelay $0x1  }
0x116: {  	v18 =	vadd.s32 s0, v11  }
0x117: {  	v18 =	vadd.s32 v4, v18;
	_ =	sdelay $0x1  }
0x118: {  	v17 =	vadd.f32 v17, v16;
	_ =	sdelay $0x1  }
0x119: {  	[tilespmem:s30+$0xFFFFFFF0] =	vst v17  }
0x11a: {  	v17 =	vld.idx.msk [tilespmem:v18+s17+$0x0], $0xffff;
	_ =	sdelay $0x1  }
0x11b: {  	v18 =	vadd.s32 s0, v10  }
0x11c: {  	v18 =	vadd.s32 v5, v18;
	_ =	sdelay $0x1  }
0x11d: {  	v17 =	vadd.f32 v17, v16;
	_ =	sdelay $0x1  }
0x11e: {  	[tilespmem:s30+$0x0] =	vst v17  }
0x11f: {  	v17 =	vld.idx.msk [tilespmem:v18+s17+$0x0], $0xffff;
	_ =	sdelay $0x1  }
0x120: {  	v18 =	vadd.s32 s0, v9  }
0x121: {  	v18 =	vadd.s32 v6, v18;
	_ =	sdelay $0x1  }
0x122: {  	v17 =	vadd.f32 v17, v16;
	_ =	sdelay $0x1  }
0x123: {  	[tilespmem:s30+$0x10] =	vst v17  }
0x124: {  	v17 =	vld.idx.msk [tilespmem:v18+s17+$0x0], $0xffff;
	_ =	sdelay $0x1  }
0x125: {  	v18 =	vadd.s32 s0, v8  }
0x126: {  	v18 =	vadd.s32 v7, v18;
	_ =	sdelay $0x1  }
0x127: {  	v17 =	vadd.f32 v17, v16;
	_ =	sdelay $0x1  }
0x128: {  	[tilespmem:s30+$0x20] =	vst v17  }
0x129: {  	v17 =	vld.idx.msk [tilespmem:v18+s17+$0x0], $0xffff;
	_ =	sdelay $0x1  }
0x12a: {  	s31 =	simm.s32 $0x1;
	s2 =	sadd.s32 $0x1, s25  }
0x12b: {  	s29 =	sor.u32 $0x1, s29;
	v19 =	vadd.s32 s31, v15;
	s0 =	simm.s32 $0x2;
	v18 =	vmov s2  }
.LBB2_5:
0x12c: {  	p0 =	sne.s32 s0, $0x3F;
	v19 =	vadd.s32 v0, v19  }
0x12d: {  	v16 =	vadd.f32 v17, v16;
	_ =	sdelay $0x1  }
0x12e: {  	[tilespmem:s30+$0x30] =	vst v16  }
0x12f: {  	v16 =	vld.idx.msk [tilespmem:v18+s12+$0x0], $0xffff  }
0x130: {  	v17 =	vld.idx.msk [tilespmem:v19+s17+$0x0], $0xffff;
	_ =	sdelay $0x2  }
0x131: {  	v18 =	vadd.s32 s31, v14  }
0x132: {  	v18 =	vadd.s32 v1, v18;
	_ =	sdelay $0x1  }
0x133: {  	v17 =	vadd.f32 v17, v16  }
0x134: {  	s30 =	sadd.s32 $0x80, s30  }
0x135: {  	[tilespmem:s30+$0xFFFFFFC0] =	vst v17  }
0x136: {  	v17 =	vld.idx.msk [tilespmem:v18+s17+$0x0], $0xffff;
	_ =	sdelay $0x2  }
0x137: {  	v18 =	vadd.s32 s31, v13  }
0x138: {  	v18 =	vadd.s32 v2, v18;
	_ =	sdelay $0x1  }
0x139: {  	v17 =	vadd.f32 v17, v16;
	_ =	sdelay $0x1  }
0x13a: {  	[tilespmem:s30+$0xFFFFFFD0] =	vst v17  }
0x13b: {  	v17 =	vld.idx.msk [tilespmem:v18+s17+$0x0], $0xffff;
	_ =	sdelay $0x2  }
0x13c: {  	v18 =	vadd.s32 s31, v12  }
0x13d: {  	v18 =	vadd.s32 v3, v18;
	_ =	sdelay $0x1  }
0x13e: {  	v17 =	vadd.f32 v17, v16;
	_ =	sdelay $0x1  }
0x13f: {  	[tilespmem:s30+$0xFFFFFFE0] =	vst v17  }
0x140: {  	v17 =	vld.idx.msk [tilespmem:v18+s17+$0x0], $0xffff;
	_ =	sdelay $0x2  }
0x141: {  	v18 =	vadd.s32 s31, v11  }
0x142: {  	v18 =	vadd.s32 v4, v18;
	_ =	sdelay $0x1  }
0x143: {  	v17 =	vadd.f32 v17, v16;
	_ =	sdelay $0x1  }
0x144: {  	[tilespmem:s30+$0xFFFFFFF0] =	vst v17  }
0x145: {  	v17 =	vld.idx.msk [tilespmem:v18+s17+$0x0], $0xffff;
	_ =	sdelay $0x2  }
0x146: {  	v18 =	vadd.s32 s31, v10  }
0x147: {  	v18 =	vadd.s32 v5, v18;
	_ =	sdelay $0x1  }
0x148: {  	v17 =	vadd.f32 v17, v16;
	_ =	sdelay $0x1  }
0x149: {  	[tilespmem:s30+$0x0] =	vst v17  }
0x14a: {  	v17 =	vld.idx.msk [tilespmem:v18+s17+$0x0], $0xffff;
	_ =	sdelay $0x2  }
0x14b: {  	v18 =	vadd.s32 s31, v9  }
0x14c: {  	v18 =	vadd.s32 v6, v18;
	_ =	sdelay $0x1  }
0x14d: {  	v17 =	vadd.f32 v17, v16;
	_ =	sdelay $0x1  }
0x14e: {  	[tilespmem:s30+$0x10] =	vst v17  }
0x14f: {  	v17 =	vld.idx.msk [tilespmem:v18+s17+$0x0], $0xffff;
	_ =	sdelay $0x2  }
0x150: {  	v18 =	vadd.s32 s31, v8;
	s31 =	smov.u32 s0  }
0x151: {  	v18 =	vadd.s32 v7, v18;
	_ =	sdelay $0x1  }
0x152: {  	v17 =	vadd.f32 v17, v16;
	_ =	sdelay $0x1  }
0x153: {  	[tilespmem:s30+$0x20] =	vst v17  }
.Ltmp3:
0x154: {  	v17 =	vld.idx.msk [tilespmem:v18+s17+$0x0], $0xffff;
	(pc) =	sbr.rel @p0 .LBB2_5-.Ltmp3, $3  }
0x155: {  	_ =	sdelay $0x1  }
0x156: {  	s2 =	sadd.s32 s0, s25  }
0x157: {  	s0 =	sadd.s32 $0x1, s0;
	v19 =	vadd.s32 s31, v15;
	v18 =	vmov s2  }
0x158: {  	v15 =	vadd.s32 v0, v19  }
0x159: {  	v16 =	vadd.f32 v17, v16;
	_ =	sdelay $0x1  }
0x15a: {  	[tilespmem:s30+$0x30] =	vst v16  }
0x15b: {  	v16 =	vld.idx.msk [tilespmem:v18+s12+$0x0], $0xffff  }
0x15c: {  	v15 =	vld.idx.msk [tilespmem:v15+s17+$0x0], $0xffff;
	_ =	sdelay $0x1  }
0x15d: {  	v14 =	vadd.s32 s31, v14  }
0x15e: {  	v14 =	vadd.s32 v1, v14;
	_ =	sdelay $0x1  }
0x15f: {  	v15 =	vadd.f32 v15, v16  }
0x160: {  	s0 =	sadd.s32 $0x80, s30  }
0x161: {  	[tilespmem:s0+$0xFFFFFFC0] =	vst v15  }
0x162: {  	v14 =	vld.idx.msk [tilespmem:v14+s17+$0x0], $0xffff;
	_ =	sdelay $0x1  }
0x163: {  	v13 =	vadd.s32 s31, v13  }
0x164: {  	v13 =	vadd.s32 v2, v13;
	_ =	sdelay $0x1  }
0x165: {  	v14 =	vadd.f32 v14, v16;
	_ =	sdelay $0x1  }
0x166: {  	[tilespmem:s0+$0xFFFFFFD0] =	vst v14  }
0x167: {  	v13 =	vld.idx.msk [tilespmem:v13+s17+$0x0], $0xffff;
	_ =	sdelay $0x1  }
0x168: {  	v12 =	vadd.s32 s31, v12  }
0x169: {  	v12 =	vadd.s32 v3, v12;
	_ =	sdelay $0x1  }
0x16a: {  	v13 =	vadd.f32 v13, v16;
	_ =	sdelay $0x1  }
0x16b: {  	[tilespmem:s0+$0xFFFFFFE0] =	vst v13  }
0x16c: {  	v12 =	vld.idx.msk [tilespmem:v12+s17+$0x0], $0xffff;
	_ =	sdelay $0x1  }
0x16d: {  	v11 =	vadd.s32 s31, v11  }
0x16e: {  	v11 =	vadd.s32 v4, v11;
	_ =	sdelay $0x1  }
0x16f: {  	v12 =	vadd.f32 v12, v16;
	_ =	sdelay $0x1  }
0x170: {  	[tilespmem:s0+$0xFFFFFFF0] =	vst v12  }
0x171: {  	v11 =	vld.idx.msk [tilespmem:v11+s17+$0x0], $0xffff;
	_ =	sdelay $0x1  }
0x172: {  	v10 =	vadd.s32 s31, v10  }
0x173: {  	v10 =	vadd.s32 v5, v10;
	_ =	sdelay $0x1  }
0x174: {  	v11 =	vadd.f32 v11, v16;
	_ =	sdelay $0x1  }
0x175: {  	[tilespmem:s0+$0x0] =	vst v11  }
0x176: {  	v10 =	vld.idx.msk [tilespmem:v10+s17+$0x0], $0xffff;
	_ =	sdelay $0x1  }
0x177: {  	v9 =	vadd.s32 s31, v9  }
0x178: {  	v9 =	vadd.s32 v6, v9;
	_ =	sdelay $0x1  }
0x179: {  	v10 =	vadd.f32 v10, v16;
	_ =	sdelay $0x1  }
0x17a: {  	[tilespmem:s0+$0x10] =	vst v10  }
0x17b: {  	v9 =	vld.idx.msk [tilespmem:v9+s17+$0x0], $0xffff;
	_ =	sdelay $0x1  }
0x17c: {  	v8 =	vadd.s32 s31, v8  }
0x17d: {  	v8 =	vadd.s32 v7, v8;
	_ =	sdelay $0x1  }
0x17e: {  	v9 =	vadd.f32 v9, v16;
	_ =	sdelay $0x1  }
0x17f: {  	[tilespmem:s0+$0x20] =	vst v9  }
0x180: {  	v8 =	vld.idx.msk [tilespmem:v8+s17+$0x0], $0xffff;
	_ =	sdelay $0x3  }
.Ltmp4:
0x181: {  	s2 =	sshll.u32 s29, $0x12;
	(pc) =	sbr.rel @p1 .LBB2_8-.Ltmp4, $4  }
0x182: {  	s2 =	sor.u32 s5, s2;
	v8 =	vadd.f32 v8, v16  }
0x183: {  	s2 =	sshrl.u32 s2, $0x3  }
0x184: {  	s31 =	sadd.s32 s1, s2;
	[tilespmem:s0+$0x30] =	vst v8  }
0x185: {  	[hbm4b:s31+s9] =	stream.strided.scatter [tilespmem:s21], [sflag:$0x4], $0x2000, s10, s9, $0x38;
	[tilespmem:$0x15800] =	vst v63  }
0x186: {  	s0 =	sshll.u32 s28, $0x8  }
0x187: {  	s0 =	sand.u32 $0x3FFFFF00, s0  }
0x188: {  	v8 =	vld [tilespmem:s0+$0x180];
	_ =	sdelay $0x4  }
0x189: {  	v9 =	vshrl.u32 v8, $0x1;
	v8 =	vshll.u32 v8, $0x6  }
0x18a: {  	[tilespmem:$0x9680] =	vst v9;
	v8 =	vand.u32 $0x40, v8  }
0x18b: {  	[tilespmem:$0x9780] =	vst v8  }
0x18c: {  	v8 =	vld [tilespmem:s0+$0x190];
	_ =	sdelay $0x4  }
0x18d: {  	v57 =	vshrl.u32 v8, $0x1;
	v8 =	vshll.u32 v8, $0x6  }
0x18e: {  	[tilespmem:$0x9690] =	vst v57;
	v8 =	vand.u32 $0x40, v8  }
0x18f: {  	[tilespmem:$0x9790] =	vst v8  }
0x190: {  	v8 =	vld [tilespmem:s0+$0x1A0];
	_ =	sdelay $0x4  }
0x191: {  	v58 =	vshrl.u32 v8, $0x1;
	v8 =	vshll.u32 v8, $0x6  }
0x192: {  	[tilespmem:$0x96A0] =	vst v58;
	v8 =	vand.u32 $0x40, v8  }
0x193: {  	[tilespmem:$0x97A0] =	vst v8  }
0x194: {  	v8 =	vld [tilespmem:s0+$0x1B0];
	_ =	sdelay $0x4  }
0x195: {  	v59 =	vshrl.u32 v8, $0x1;
	v8 =	vshll.u32 v8, $0x6  }
0x196: {  	[tilespmem:$0x96B0] =	vst v59;
	v8 =	vand.u32 $0x40, v8  }
0x197: {  	[tilespmem:$0x97B0] =	vst v8  }
0x198: {  	v8 =	vld [tilespmem:s0+$0x1C0];
	_ =	sdelay $0x4  }
0x199: {  	v60 =	vshrl.u32 v8, $0x1;
	v8 =	vshll.u32 v8, $0x6  }
0x19a: {  	[tilespmem:$0x96C0] =	vst v60;
	v8 =	vand.u32 $0x40, v8  }
0x19b: {  	[tilespmem:$0x97C0] =	vst v8  }
0x19c: {  	v8 =	vld [tilespmem:s0+$0x1D0];
	_ =	sdelay $0x4  }
0x19d: {  	v61 =	vshrl.u32 v8, $0x1;
	v8 =	vshll.u32 v8, $0x6  }
0x19e: {  	[tilespmem:$0x96D0] =	vst v61;
	v8 =	vand.u32 $0x40, v8  }
0x19f: {  	[tilespmem:$0x97D0] =	vst v8  }
0x1a0: {  	v8 =	vld [tilespmem:s0+$0x1E0];
	_ =	sdelay $0x4  }
0x1a1: {  	v62 =	vshrl.u32 v8, $0x1;
	v8 =	vshll.u32 v8, $0x6  }
0x1a2: {  	[tilespmem:$0x96E0] =	vst v62;
	v8 =	vand.u32 $0x40, v8  }
0x1a3: {  	[tilespmem:$0x97E0] =	vst v8  }
0x1a4: {  	v8 =	vld [tilespmem:s0+$0x1F0];
	_ =	sdelay $0x3  }
.Ltmp5:
0x1a5: {  	_ = 	snop;
	(pc) =	sbr.rel .LBB2_2-.Ltmp5, $4  }
0x1a6: {  	v63 =	vshrl.u32 v8, $0x1;
	v8 =	vshll.u32 v8, $0x6  }
0x1a7: {  	[tilespmem:$0x96F0] =	vst v63;
	v8 =	vand.u32 $0x40, v8  }
0x1a8: {  	s28 =	sadd.s32 $0x1, s28;
	s26 =	sadd.s32 $0x80, s26;
	s25 =	sadd.s32 $0x80, s25;
	[tilespmem:$0x97F0] =	vst v8  }
0x1a9: {  	[tilespmem:s17], [sflag:$0x2] =	stream.indirect.gather [hbm4b:s4+s13], $0x80, s16, s13, $0xb8;
	[tilespmem:$0x15800] =	vst v63  }
.LBB2_9:
0x1aa: {  	_ =	sfence.sel $0x180000  }
0x1ab: {  	[bflag:$0x0] =	sbarrier.arrive $0xFFFF  }
0x1ac: {  	_ =	strace $0x9000004A  }
0x1ad: {  	s0 =	stileid.u32;
	[bflag:$0x2] =	sbarrier.arrive $0xFFFF  }
0x1ae: {  	p0 =	sne.s32 s0, $0x0;
	s0 =	rddreg [dreg:$0x3]  }
0x1af: {  	s0 =	sadd.s32 @!p0 $0x100000, s0  }
0x1b0: {  	[sflag:s0] =	ssyncadd.tile.s32 @!p0 $0x1;
	_ =	shalt  }
.Lfunc_end2:
_tile_overlayer_lowered:
.L_overlay_start_2:
0x1b1: {  	(tag) =	ssettag $0x2  }
0x1b2: {  	s0 =	rddreg [dreg:$0x0];
	s2 =	stileid.u32  }
0x1b3: {  	s1 =	rddreg [dreg:$0x1];
	p0 =	sne.s32 s2, $0x0  }
0x1b4: {  	s3 =	rddreg [dreg:$0x2];
	[bflag:$0x3] =	sbarrier.arrive $0xFFFF;
	s2 =	simm.s32 @!p0 $0x1C05  }
0x1b5: {  	[timem:s3], [sflag:s2] =	dma.local @!p0 [hbm:s0], s1  }
0x1b6: {  	s0 =	simm.s32 @!p0 $0x5  }
0x1b7: {  	_ =	swait.ge @!p0 [sflag:s0], s1  }
0x1b8: {  	s1 =	ssub.s32 @!p0 $0x0, s1;
	[sflag:s0] =	ssyncset.done @!p0 $0x0  }
0x1b9: {  	[sflag:s0] =	ssyncadd.s32 @!p0 s1  }
0x1ba: {  	[bflag:$0x3] =	sbarrier.arrive $0xFFFF  }
0x1bb: {  	_ =	shalt  }

</sc_bundles>
